<compile_context>
chip_gen: v7x
topology: tpu7x:2x2x1
jax: 0.10.2.dev20260603
libtpu: 0.0.44.dev20260713+nightly
codegen_flags: <defaults>
</compile_context>

<pallas_src>
import functools

import jax
import jax.numpy as jnp
from jax import lax
from jax.experimental import pallas as pl
from jax.experimental.pallas import tpu as pltpu
from jax.experimental.pallas import tpu_sc as plsc

_N, _M, _C = 20000, 100, 80
_R, _L = 160, 128
_NP = _R * _L
_B = 256
_BIG = 2**30


def _iou_block(P1, P2, P3, P4, PA, gx1, gy1, gx2, gy2, ga):
    x1 = jnp.maximum(P1, gx1)
    y1 = jnp.maximum(P2, gy1)
    x2 = jnp.minimum(P3, gx2)
    y2 = jnp.minimum(P4, gy2)
    inter = jnp.maximum(x2 - x1, 0.0) * jnp.maximum(y2 - y1, 0.0)
    union = (PA + ga) - inter
    return inter / jnp.maximum(union, 1e-9)


def _match_body(p_ref, gt_ref,
                mp_ref, val_ref,
                pa_ref, idx_ref, best_ref, arg_ref, pen_ref):
    P1, P2, P3, P4 = p_ref[0], p_ref[1], p_ref[2], p_ref[3]
    pa_ref[...] = (P3 - P1) * (P4 - P2)
    ridx = lax.broadcasted_iota(jnp.int32, (_R, _L), 0)
    cidx = lax.broadcasted_iota(jnp.int32, (_R, _L), 1)
    idx_ref[...] = ridx * _L + cidx
    lane = lax.broadcasted_iota(jnp.int32, (1, _L), 1)
    best_ref[...] = jnp.full((1, _L), -jnp.inf, jnp.float32)
    arg_ref[...] = jnp.zeros((1, _L), jnp.int32)
    pen_ref[...] = jnp.zeros((_R, _L), jnp.float32)
    mp_ref[...] = jnp.zeros((2, _L), jnp.int32)
    val_ref[...] = jnp.zeros((2, _L), jnp.float32)

    def col_scan(j):
        gx1 = gt_ref[j, 0]
        gy1 = gt_ref[j, 1]
        gx2 = gt_ref[j, 2]
        gy2 = gt_ref[j, 3]
        ga = (gx2 - gx1) * (gy2 - gy1)
        iou = _iou_block(P1, P2, P3, P4, pa_ref[...],
                         gx1, gy1, gx2, gy2, ga) + pen_ref[...]
        m = jnp.max(iou)
        f = jnp.min(jnp.where(iou == m, idx_ref[...], _BIG))
        return m, f

    def init_j(j, carry):
        m, f = col_scan(j)
        onlane = lane == j
        best_ref[...] = jnp.where(onlane, m, best_ref[...])
        arg_ref[...] = jnp.where(onlane, f, arg_ref[...])
        return carry

    lax.fori_loop(0, _M, init_j, 0, unroll=10)


    def pen_write(f):
        row_f = f // _L
        lane_f = f % _L
        prow = pen_ref[pl.ds(row_f, 1), :]
        pen_ref[pl.ds(row_f, 1), :] = jnp.where(lane == lane_f,
                                                -jnp.inf, prow)

    def rescan_one(l):
        def rcond(c):
            return c

        def rbody(c):
            m2, f2 = col_scan(l)
            taken = jnp.max(jnp.where(
                jnp.logical_and(mp_ref[0:1, :] == f2,
                                val_ref[0:1, :] > 0.5), 1, 0)) > 0
            hit = jnp.logical_and(taken, m2 > -jnp.inf)

            @pl.when(hit)
            def _():
                pen_write(f2)

            @pl.when(jnp.logical_not(hit))
            def _():
                onlane = lane == l
                best_ref[...] = jnp.where(onlane, m2, best_ref[...])
                arg_ref[...] = jnp.where(onlane, f2, arg_ref[...])

            return hit

        lax.while_loop(rcond, rbody, jnp.bool_(True))

    def round_body(c):
        B = best_ref[...]
        A = arg_ref[...]
        actf = jnp.where(B >= 0.5, 1.0, 0.0)
        Bm = jnp.where(B >= 0.5, B, -jnp.inf)
        F = (_L, _L)
        Acol = jnp.broadcast_to(A, F)
        Bcol = jnp.broadcast_to(Bm, F)
        ActC = jnp.broadcast_to(actf, F)
        AT = jnp.transpose(Acol)
        BT = jnp.transpose(Bcol)
        ActT = jnp.transpose(ActC)
        same = jnp.logical_and(Acol == AT,
                               jnp.logical_and(ActC > 0.5, ActT > 0.5))
        Mx = jnp.where(same, Bcol, -jnp.inf)
        grpmax = jnp.max(Mx, axis=1, keepdims=True)
        kio = lax.broadcasted_iota(jnp.int32, F, 1)
        winlane = jnp.min(jnp.where(Mx == grpmax, kio, _BIG),
                          axis=1, keepdims=True)
        sub = lax.broadcasted_iota(jnp.int32, (_L, 1), 0)
        actrow = ActT[:, 0:1] > 0.5
        Brow = BT[:, 0:1]
        win_j = jnp.logical_and(winlane == sub, actrow)
        loser_j = jnp.logical_and(actrow, jnp.logical_not(win_j))
        maxloser = jnp.max(jnp.where(loser_j, Brow, -jnp.inf))
        mxv = jnp.max(Bm)
        safe_j = jnp.logical_and(win_j,
                                 jnp.logical_or(Brow > maxloser,
                                                Brow == mxv))
        safef = jnp.where(safe_j, 1.0, 0.0)
        safeL = jnp.transpose(jnp.broadcast_to(safef, F))[0:1, :]
        onsafe = safeL > 0.5
        mp_ref[0:1, :] = jnp.where(onsafe, A, mp_ref[0:1, :])
        val_ref[0:1, :] = jnp.where(onsafe, 1.0, val_ref[0:1, :])
        best_ref[...] = jnp.where(onsafe, -jnp.inf, B)
        SafeC = jnp.broadcast_to(safeL, F)
        takenrow = jnp.max(jnp.where(jnp.logical_and(same, SafeC > 0.5),
                                     1.0, 0.0), axis=1, keepdims=True)
        needf = jnp.where(jnp.logical_and(loser_j, takenrow > 0.5),
                          1.0, 0.0)
        needL = jnp.transpose(jnp.broadcast_to(needf, F))[0:1, :]

        def lane_cond(nd):
            return jnp.max(nd) > 0.5

        def lane_body(nd):
            l = jnp.min(jnp.where(nd > 0.5, lane, _BIG))
            rescan_one(l)
            return jnp.where(lane == l, 0.0, nd)

        lax.while_loop(lane_cond, lane_body, needL)
        return jnp.max(best_ref[...]) >= 0.5

    cont0 = jnp.max(best_ref[...]) >= 0.5
    lax.while_loop(lambda c: c, round_body, cont0)


def _loss_body(x_ref, g_ref, vm_ref, out_ref):
    vm = vm_ref[...]
    cnt = jnp.sum(vm)
    X = x_ref[...]
    G = g_ref[...]
    lane = lax.broadcasted_iota(jnp.int32, (_B, _L), 1)

    Xc = jnp.where(lane < _C, X, -jnp.inf)
    m = jnp.max(Xc, axis=1, keepdims=True)
    s = jnp.sum(jnp.where(lane < _C, jnp.exp(X - m), 0.0),
                axis=1, keepdims=True)
    lse = jnp.log(s) + m
    clsf = jnp.sum(jnp.where(lane == _C + 4, G, 0.0), axis=1, keepdims=True)
    xc = jnp.sum(jnp.where(lane.astype(jnp.float32) == clsf, X, 0.0),
                 axis=1, keepdims=True)
    ce_sum = jnp.sum((lse - xc) * vm)

    d = X - G
    ad = jnp.abs(d)
    sl1 = jnp.where(ad < 1.0, 0.5 * d * d, ad - 0.5)
    boxmask = jnp.logical_and(lane >= _C, lane < _C + 4)
    box_sum = jnp.sum(jnp.where(boxmask, sl1, 0.0) * vm)

    lane1 = lax.broadcasted_iota(jnp.int32, (1, _L), 1)
    cden = jnp.maximum(cnt, 1.0)
    out_ref[...] = jnp.where(lane1 == 0, ce_sum / cden,
                             jnp.where(lane1 == 1, box_sum / (cden * 4.0),
                                       0.0))


def _gather_rows(table, mp2):
    info = plsc.get_sparse_core_info()
    nw = info.num_cores * info.num_subcores
    bpw = _B // nw
    nsub = info.num_subcores
    mesh = plsc.VectorSubcoreMesh(core_axis_name="c", subcore_axis_name="s")

    @functools.partial(
        pl.kernel,
        out_type=jax.ShapeDtypeStruct((_B, _L), jnp.float32),
        mesh=mesh,
        scratch_types=[
            pltpu.VMEM((bpw,), jnp.int32),
            pltpu.VMEM((bpw, _L), jnp.float32),
            pltpu.SemaphoreType.DMA,
        ],
        compiler_params=pltpu.CompilerParams(use_tc_tiling_on_sc=True),
    )
    def sc_gather(tab_hbm, mp_hbm, out_hbm, mp_v, rows_v, sem):
        wid = lax.axis_index("s") * info.num_cores + lax.axis_index("c")
        base = wid * bpw
        row = wid // nsub
        off = (wid % nsub) * bpw
        pltpu.sync_copy(mp_hbm.at[row, pl.ds(off, bpw)], mp_v)
        pltpu.async_copy(tab_hbm.at[mp_v], rows_v, sem).wait()
        pltpu.sync_copy(rows_v, out_hbm.at[pl.ds(base, bpw)])

    return sc_gather(table, mp2)


def kernel(cls_scores, pred_boxes, gt_boxes, gt_classes):
    pb = pred_boxes.astype(jnp.float32)
    pred_pad = jnp.pad(pb, ((0, _NP - _N), (0, 0)))
    P = pred_pad.T.reshape(4, _R, _L)
    gt_b = gt_boxes.astype(jnp.float32)
    table = jnp.concatenate(
        [cls_scores.astype(jnp.float32), pb,
         jnp.zeros((_N, _L - _C - 4), jnp.float32)], axis=1)
    gt_big = jnp.concatenate(
        [jnp.zeros((_M, _C), jnp.float32), gt_b,
         gt_classes.astype(jnp.float32)[:, None],
         jnp.zeros((_M, _L - _C - 5), jnp.float32)], axis=1)
    gt_big = jnp.pad(gt_big, ((0, _B - _M), (0, 0)))

    mp, valid = pl.pallas_call(
        _match_body,
        out_shape=[
            jax.ShapeDtypeStruct((2, _L), jnp.int32),
            jax.ShapeDtypeStruct((2, _L), jnp.float32),
        ],
        in_specs=[
            pl.BlockSpec(memory_space=pltpu.VMEM),
            pl.BlockSpec(memory_space=pltpu.SMEM),
        ],
        out_specs=[pl.BlockSpec(memory_space=pltpu.VMEM)] * 2,
        scratch_shapes=[
            pltpu.VMEM((_R, _L), jnp.float32),
            pltpu.VMEM((_R, _L), jnp.int32),
            pltpu.VMEM((1, _L), jnp.float32),
            pltpu.VMEM((1, _L), jnp.int32),
            pltpu.VMEM((_R, _L), jnp.float32),
        ],
    )(P, gt_b)

    rows = _gather_rows(table, mp)

    out = pl.pallas_call(
        _loss_body,
        out_shape=jax.ShapeDtypeStruct((1, _L), jnp.float32),
        in_specs=[pl.BlockSpec(memory_space=pltpu.VMEM)] * 3,
        out_specs=pl.BlockSpec(memory_space=pltpu.VMEM),
    )(rows, gt_big, valid.reshape(_B, 1))

    return out[0, 0], out[0, 1]

# --- scband reference (transcript-rebuilt; emitter-appended) ---
"""Pipeline reference for scband-loss-function-50517405335656 (READ-ONLY COPY).

The authoritative reference and input builder live on the scoring server;
editing this copy changes nothing except your own understanding.
"""

import jax, jax.numpy as jnp
import numpy as np

N, M, C = 20000, 100, 80


def box_iou(boxes1, boxes2):
    x1 = jnp.maximum(boxes1[:, None, 0], boxes2[None, :, 0])
    y1 = jnp.maximum(boxes1[:, None, 1], boxes2[None, :, 1])
    x2 = jnp.minimum(boxes1[:, None, 2], boxes2[None, :, 2])
    y2 = jnp.minimum(boxes1[:, None, 3], boxes2[None, :, 3])
    inter = jnp.clip(x2 - x1, 0.0) * jnp.clip(y2 - y1, 0.0)
    a1 = (boxes1[:, 2] - boxes1[:, 0]) * (boxes1[:, 3] - boxes1[:, 1])
    a2 = (boxes2[:, 2] - boxes2[:, 0]) * (boxes2[:, 3] - boxes2[:, 1])
    union = a1[:, None] + a2[None, :] - inter
    return inter / jnp.maximum(union, 1e-9)


def greedy_match(pred_boxes, gt_boxes):
    # Greedy bipartite matching by IoU, threshold 0.5 (faithful to the torch loop;
    # torch computes IoU on .cpu().numpy() so matching is fully detached).
    ious = jax.lax.stop_gradient(box_iou(pred_boxes, gt_boxes))
    n, m = ious.shape
    K = min(n, m)
    mp = jnp.zeros((K,), jnp.int32)
    mg = jnp.zeros((K,), jnp.int32)
    valid = jnp.zeros((K,), bool)

    def body(i, state):
        ious, mp, mg, valid = state
        flat = jnp.argmax(ious)
        val = ious.reshape(-1)[flat]
        ok = val >= 0.5
        pi = (flat // m).astype(jnp.int32)
        gi = (flat % m).astype(jnp.int32)
        mp = mp.at[i].set(jnp.where(ok, pi, 0))
        mg = mg.at[i].set(jnp.where(ok, gi, 0))
        valid = valid.at[i].set(ok)
        new_ious = ious.at[pi, :].set(-1.0).at[:, gi].set(-1.0)
        ious = jnp.where(ok, new_ious, ious)
        return (ious, mp, mg, valid)

    ious, mp, mg, valid = jax.lax.fori_loop(0, K, body, (ious, mp, mg, valid))
    return mp, mg, valid


def compute_losses(cls_scores, pred_boxes, gt_boxes, gt_classes, mp, mg, valid, lambda_cls, lambda_box):
    vf = valid.astype(jnp.float32)
    cnt = jnp.maximum(vf.sum(), 1.0)
    # CrossEntropyLoss (mean over matched predictions)
    matched_scores = cls_scores[mp]
    matched_cls = gt_classes[mg]
    logp = jax.nn.log_softmax(matched_scores, axis=-1)
    ce = -jnp.take_along_axis(logp, matched_cls[:, None], axis=1)[:, 0]
    cls_loss = (ce * vf).sum() / cnt
    # SmoothL1Loss (beta=1.0, mean over all matched box elements)
    d = pred_boxes[mp] - gt_boxes[mg]
    ad = jnp.abs(d)
    sl1 = jnp.where(ad < 1.0, 0.5 * d * d, ad - 0.5)
    box_loss = (sl1 * vf[:, None]).sum() / (cnt * 4.0)
    return lambda_cls * cls_loss, lambda_box * box_loss


def setup_inputs(seed: int = 0):
    key = jax.random.key(seed)
    k1, k2, k3, k4, k5 = jax.random.split(key, 5)
    # Valid [x1, y1, x2, y2] boxes in [0, 1]
    xy = jax.random.uniform(k1, (N, 2)) * 0.8
    wh = jax.random.uniform(k2, (N, 2)) * 0.15 + 0.05
    pred_boxes = jnp.concatenate([xy, xy + wh], axis=1).astype(jnp.float32)
    # Ground-truth boxes: perturbed copies of the first M predictions so that
    # IoU >= 0.5 matches actually exist (otherwise the loss is trivially 0).
    noise = (jax.random.uniform(k3, (M, 4)) - 0.5) * 0.02
    gt_boxes = (pred_boxes[:M] + noise).astype(jnp.float32)
    cls_scores = jax.random.normal(k4, (N, C), dtype=jnp.float32)
    gt_classes = jax.random.randint(k5, (M,), 0, C)
    return {
        "cls_scores": cls_scores,
        "pred_boxes": pred_boxes,
        "gt_boxes": gt_boxes,
        "gt_classes": gt_classes,
    }


def reference(cls_scores, pred_boxes, gt_boxes, gt_classes):
    mp, mg, valid = greedy_match(pred_boxes, gt_boxes)
    cls_loss, box_loss = compute_losses(
        cls_scores, pred_boxes, gt_boxes, gt_classes, mp, mg, valid, 1.0, 1.0
    )
    return (cls_loss, box_loss)

if __name__ == "__main__":
    import jax
    _d = setup_inputs()
    print(jax.jit(kernel)(*tuple(_d.values())))

</pallas_src>

<mosaic_0001>
#map = affine_map<(d0, d1) -> (0, 0)>
module attributes {stable_mosaic.version = 14 : i64} {
  func.func @sc_gather(%arg0: i32, %arg1: i32, %arg2: memref<20000x128xf32, #tpu.memory_space<hbm>>, %arg3: memref<2x128xi32, #tpu.memory_space<hbm>>, %arg4: memref<256x128xf32, #tpu.memory_space<hbm>>, %arg5: memref<8xi32, #tpu.memory_space<vmem>>, %arg6: memref<8x128xf32, #tpu.memory_space<vmem>>, %arg7: memref<!tpu.dma_semaphore, #tpu.memory_space<semaphore_mem>>) attributes {dimension_semantics = [#tpu.dimension_semantics<core_parallel>, #tpu.dimension_semantics<subcore_parallel>], iteration_bounds = array<i64: 2, 16>, scalar_prefetch = 0 : i64, scratch_operands = 3 : i64, tpu.core_type = #tpu.core_type<sc_vector_subcore>, window_params = [{transform_indices = #map}, {transform_indices = #map}, {transform_indices = #map}]} {
    %mul3A = arith.constant 2 : i32
    %mul3A_0 = arith.muli %arg1, %mul3A : i32
    %add3A = arith.addi %mul3A_0, %arg0 : i32
    %mul3A_1 = arith.constant 8 : i32
    %mul3A_2 = arith.muli %add3A, %mul3A_1 : i32
    %jit3A = arith.constant 16 : i32
    %div3A = arith.divsi %add3A, %jit3A : i32
    %sign3A = arith.constant 0 : i32
    %sign3A_3 = arith.cmpi sgt, %add3A, %sign3A : i32
    %sign3A_4 = arith.extui %sign3A_3 : i1 to i32
    %sign3A_5 = arith.constant 0 : i32
    %sign3A_6 = arith.cmpi slt, %add3A, %sign3A_5 : i32
    %sign3A_7 = arith.extui %sign3A_6 : i1 to i32
    %sign3A_8 = arith.subi %sign3A_4, %sign3A_7 : i32
    %sign3A_9 = arith.constant 0 : i32
    %sign3A_10 = arith.cmpi sgt, %jit3A, %sign3A_9 : i32
    %sign3A_11 = arith.extui %sign3A_10 : i1 to i32
    %sign3A_12 = arith.constant 0 : i32
    %sign3A_13 = arith.cmpi slt, %jit3A, %sign3A_12 : i32
    %sign3A_14 = arith.extui %sign3A_13 : i1 to i32
    %sign3A_15 = arith.subi %sign3A_11, %sign3A_14 : i32
    %ne3A = arith.cmpi ne, %sign3A_8, %sign3A_15 : i32
    %rem3A = arith.remsi %add3A, %jit3A : i32
    %ne3A_16 = arith.constant 0 : i32
    %ne3A_17 = arith.cmpi ne, %rem3A, %ne3A_16 : i32
    %and3A = arith.andi %ne3A, %ne3A_17 : i1
    %sub3A = arith.constant 1 : i32
    %sub3A_18 = arith.subi %div3A, %sub3A : i32
    %select_n3A = arith.select %and3A, %sub3A_18, %div3A : i32
    %jit3A_19 = arith.constant 16 : i32
    %eq3A = arith.constant 0 : i32
    %eq3A_20 = arith.cmpi eq, %jit3A_19, %eq3A : i32
    %jit3A_21 = arith.constant 1 : i32
    %select_n3A_22 = arith.select %eq3A_20, %jit3A_21, %jit3A_19 : i32
    %rem3A_23 = arith.remsi %add3A, %select_n3A_22 : i32
    %ne3A_24 = arith.constant 0 : i32
    %ne3A_25 = arith.cmpi ne, %rem3A_23, %ne3A_24 : i32
    %lt3A = arith.constant 0 : i32
    %lt3A_26 = arith.cmpi slt, %rem3A_23, %lt3A : i32
    %lt3A_27 = arith.constant 0 : i32
    %lt3A_28 = arith.cmpi slt, %select_n3A_22, %lt3A_27 : i32
    %ne3A_29 = arith.xori %lt3A_26, %lt3A_28 : i1
    %and3A_30 = arith.andi %ne3A_29, %ne3A_25 : i1
    %add3A_31 = arith.addi %rem3A_23, %select_n3A_22 : i32
    %select_n3A_32 = arith.select %and3A_30, %add3A_31, %rem3A_23 : i32
    %mul3A_33 = arith.constant 8 : i32
    %mul3A_34 = arith.muli %select_n3A_32, %mul3A_33 : i32
    "tpu.region"() ({
      %run_scoped3A = tpu.sem_alloc : memref<!tpu.dma_semaphore, #tpu.memory_space<semaphore_mem>>
      %dma_start3A_39 = tpu.memref_slice %arg3[%select_n3A, %mul3A_34] : memref<2x128xi32, #tpu.memory_space<hbm>> -> memref<1x8xi32, #tpu.memory_space<hbm>>
      %dma_start3A_40 = tpu.memref_squeeze %dma_start3A_39 : memref<1x8xi32, #tpu.memory_space<hbm>> -> memref<8xi32, #tpu.memory_space<hbm>>
      %dma_start3A_41 = tpu.memref_slice %arg3[%select_n3A, %mul3A_34] : memref<2x128xi32, #tpu.memory_space<hbm>> -> memref<1x8xi32, #tpu.memory_space<hbm>>
      %dma_start3A_42 = tpu.memref_squeeze %dma_start3A_41 : memref<1x8xi32, #tpu.memory_space<hbm>> -> memref<8xi32, #tpu.memory_space<hbm>>
      tpu.enqueue_dma source(%dma_start3A_42 : memref<8xi32, #tpu.memory_space<hbm>>) target(%arg5 : memref<8xi32, #tpu.memory_space<vmem>>) target_semaphore(%run_scoped3A : memref<!tpu.dma_semaphore, #tpu.memory_space<semaphore_mem>>)
      %dma_wait3A_43 = tpu.memref_slice %arg3[%select_n3A, %mul3A_34] : memref<2x128xi32, #tpu.memory_space<hbm>> -> memref<1x8xi32, #tpu.memory_space<hbm>>
      %dma_wait3A_44 = tpu.memref_squeeze %dma_wait3A_43 : memref<1x8xi32, #tpu.memory_space<hbm>> -> memref<8xi32, #tpu.memory_space<hbm>>
      %dma_wait3A_45 = tpu.memref_slice %arg3[%select_n3A, %mul3A_34] : memref<2x128xi32, #tpu.memory_space<hbm>> -> memref<1x8xi32, #tpu.memory_space<hbm>>
      %dma_wait3A_46 = tpu.memref_squeeze %dma_wait3A_45 : memref<1x8xi32, #tpu.memory_space<hbm>> -> memref<8xi32, #tpu.memory_space<hbm>>
      tpu.wait_dma2 semaphore(%run_scoped3A : memref<!tpu.dma_semaphore, #tpu.memory_space<semaphore_mem>>) src(%dma_wait3A_46 : memref<8xi32, #tpu.memory_space<hbm>>) dst(%arg5 : memref<8xi32, #tpu.memory_space<vmem>>)
      tpu.yield
    }) : () -> ()
    %dma_start3A = arith.constant 0 : i32
    %dma_start3A_35 = arith.constant 0 : i32
    %dma_start3A_36 = tpu.memref_slice %arg2[%dma_start3A, %dma_start3A_35] : memref<20000x128xf32, #tpu.memory_space<hbm>> -> memref<20000x128xf32, #tpu.memory_space<hbm>>
    tpu.enqueue_indirect_dma source(%dma_start3A_36 : memref<20000x128xf32, #tpu.memory_space<hbm>>) target(%arg6 : memref<8x128xf32, #tpu.memory_space<vmem>>) offsets(%arg5 : memref<8xi32, #tpu.memory_space<vmem>>) semaphore(%arg7 : memref<!tpu.dma_semaphore, #tpu.memory_space<semaphore_mem>>)
    %dma_wait3A = arith.constant 0 : i32
    %dma_wait3A_37 = arith.constant 0 : i32
    %dma_wait3A_38 = tpu.memref_slice %arg2[%dma_wait3A, %dma_wait3A_37] : memref<20000x128xf32, #tpu.memory_space<hbm>> -> memref<20000x128xf32, #tpu.memory_space<hbm>>
    tpu.wait_indirect_dma semaphore(%arg7 : memref<!tpu.dma_semaphore, #tpu.memory_space<semaphore_mem>>) src(%dma_wait3A_38 : memref<20000x128xf32, #tpu.memory_space<hbm>>) dst(%arg6 : memref<8x128xf32, #tpu.memory_space<vmem>>)
    "tpu.region"() ({
      %run_scoped3A = tpu.sem_alloc : memref<!tpu.dma_semaphore, #tpu.memory_space<semaphore_mem>>
      %dma_start3A_39 = arith.constant 0 : i32
      %dma_start3A_40 = tpu.memref_slice %arg4[%mul3A_2, %dma_start3A_39] : memref<256x128xf32, #tpu.memory_space<hbm>> -> memref<8x128xf32, #tpu.memory_space<hbm>>
      %dma_start3A_41 = arith.constant 0 : i32
      %dma_start3A_42 = tpu.memref_slice %arg4[%mul3A_2, %dma_start3A_41] : memref<256x128xf32, #tpu.memory_space<hbm>> -> memref<8x128xf32, #tpu.memory_space<hbm>>
      tpu.enqueue_dma source(%arg6 : memref<8x128xf32, #tpu.memory_space<vmem>>) target(%dma_start3A_42 : memref<8x128xf32, #tpu.memory_space<hbm>>) target_semaphore(%run_scoped3A : memref<!tpu.dma_semaphore, #tpu.memory_space<semaphore_mem>>)
      %dma_wait3A_43 = arith.constant 0 : i32
      %dma_wait3A_44 = tpu.memref_slice %arg4[%mul3A_2, %dma_wait3A_43] : memref<256x128xf32, #tpu.memory_space<hbm>> -> memref<8x128xf32, #tpu.memory_space<hbm>>
      %dma_wait3A_45 = arith.constant 0 : i32
      %dma_wait3A_46 = tpu.memref_slice %arg4[%mul3A_2, %dma_wait3A_45] : memref<256x128xf32, #tpu.memory_space<hbm>> -> memref<8x128xf32, #tpu.memory_space<hbm>>
      tpu.wait_dma2 semaphore(%run_scoped3A : memref<!tpu.dma_semaphore, #tpu.memory_space<semaphore_mem>>) src(%arg6 : memref<8x128xf32, #tpu.memory_space<vmem>>) dst(%dma_wait3A_46 : memref<8x128xf32, #tpu.memory_space<hbm>>)
      tpu.yield
    }) : () -> ()
    return
  }
}

module attributes {stable_mosaic.version = 14 : i64} {
  func.func @_match_body(%arg0: memref<4x160x128xf32, #tpu.memory_space<vmem>>, %arg1: memref<100x4xf32, #tpu.memory_space<smem>>, %arg2: memref<2x128xi32, #tpu.memory_space<vmem>>, %arg3: memref<2x128xf32, #tpu.memory_space<vmem>>, %arg4: memref<160x128xf32, #tpu.memory_space<vmem>>, %arg5: memref<160x128xi32, #tpu.memory_space<vmem>>, %arg6: memref<1x128xf32, #tpu.memory_space<vmem>>, %arg7: memref<1x128xi32, #tpu.memory_space<vmem>>, %arg8: memref<160x128xf32, #tpu.memory_space<vmem>>) attributes {dimension_semantics = [], scalar_prefetch = 0 : i64, scratch_operands = 5 : i64, tpu.core_type = #tpu.core_type<tc>} {
    %get3A = arith.constant 0 : index
    %get3A_0 = arith.constant 0 : index
    %get3A_1 = arith.constant 0 : index
    %get3A_2 = vector.load %arg0[%get3A, %get3A_0, %get3A_1] : memref<4x160x128xf32, #tpu.memory_space<vmem>>, vector<1x160x128xf32>
    %get3A_3 = vector.shape_cast %get3A_2 : vector<1x160x128xf32> to vector<160x128xf32>
    %get3A_4 = arith.constant 1 : index
    %get3A_5 = arith.constant 0 : index
    %get3A_6 = arith.constant 0 : index
    %get3A_7 = vector.load %arg0[%get3A_4, %get3A_5, %get3A_6] : memref<4x160x128xf32, #tpu.memory_space<vmem>>, vector<1x160x128xf32>
    %get3A_8 = vector.shape_cast %get3A_7 : vector<1x160x128xf32> to vector<160x128xf32>
    %get3A_9 = arith.constant 2 : index
    %get3A_10 = arith.constant 0 : index
    %get3A_11 = arith.constant 0 : index
    %get3A_12 = vector.load %arg0[%get3A_9, %get3A_10, %get3A_11] : memref<4x160x128xf32, #tpu.memory_space<vmem>>, vector<1x160x128xf32>
    %get3A_13 = vector.shape_cast %get3A_12 : vector<1x160x128xf32> to vector<160x128xf32>
    %get3A_14 = arith.constant 3 : index
    %get3A_15 = arith.constant 0 : index
    %get3A_16 = arith.constant 0 : index
    %get3A_17 = vector.load %arg0[%get3A_14, %get3A_15, %get3A_16] : memref<4x160x128xf32, #tpu.memory_space<vmem>>, vector<1x160x128xf32>
    %get3A_18 = vector.shape_cast %get3A_17 : vector<1x160x128xf32> to vector<160x128xf32>
    %sub3A = arith.subf %get3A_13, %get3A_3 : vector<160x128xf32>
    %sub3A_19 = arith.subf %get3A_18, %get3A_8 : vector<160x128xf32>
    %mul3A = arith.mulf %sub3A, %sub3A_19 : vector<160x128xf32>
    %swap3A = arith.constant 0 : index
    %swap3A_20 = arith.constant 0 : index
    %swap3A_21 = vector.load %arg4[%swap3A, %swap3A_20] : memref<160x128xf32, #tpu.memory_space<vmem>>, vector<160x128xf32>
    tpu.vector_store %arg4[%swap3A, %swap3A_20], %mul3A {strides = array<i32>} : memref<160x128xf32, #tpu.memory_space<vmem>>, vector<160x128xf32>,
    %iota3A = tpu.iota {dimensions = array<i32: 0>} : vector<160x128xi32>
    %iota3A_22 = tpu.iota {dimensions = array<i32: 1>} : vector<160x128xi32>
    %mul3A_23 = arith.constant 128 : i32
    %mul3A_24 = vector.broadcast %mul3A_23 : i32 to vector<160x128xi32>
    %mul3A_25 = arith.muli %iota3A, %mul3A_24 : vector<160x128xi32>
    %add3A = arith.addi %mul3A_25, %iota3A_22 : vector<160x128xi32>
    %swap3A_26 = arith.constant 0 : index
    %swap3A_27 = arith.constant 0 : index
    %swap3A_28 = vector.load %arg5[%swap3A_26, %swap3A_27] : memref<160x128xi32, #tpu.memory_space<vmem>>, vector<160x128xi32>
    tpu.vector_store %arg5[%swap3A_26, %swap3A_27], %add3A {strides = array<i32>} : memref<160x128xi32, #tpu.memory_space<vmem>>, vector<160x128xi32>,
    %iota3A_29 = tpu.iota {dimensions = array<i32: 1>} : vector<1x128xi32>
    %broadcast_in_dim3A = arith.constant 0xFF800000 : f32
    %broadcast_in_dim3A_30 = vector.broadcast %broadcast_in_dim3A : f32 to vector<1x128xf32>
    %swap3A_31 = arith.constant 0 : index
    %swap3A_32 = arith.constant 0 : index
    %swap3A_33 = vector.load %arg6[%swap3A_31, %swap3A_32] : memref<1x128xf32, #tpu.memory_space<vmem>>, vector<1x128xf32>
    tpu.vector_store %arg6[%swap3A_31, %swap3A_32], %broadcast_in_dim3A_30 {strides = array<i32>} : memref<1x128xf32, #tpu.memory_space<vmem>>, vector<1x128xf32>,
    %broadcast_in_dim3A_34 = arith.constant 0 : i32
    %broadcast_in_dim3A_35 = vector.broadcast %broadcast_in_dim3A_34 : i32 to vector<1x128xi32>
    %swap3A_36 = arith.constant 0 : index
    %swap3A_37 = arith.constant 0 : index
    %swap3A_38 = vector.load %arg7[%swap3A_36, %swap3A_37] : memref<1x128xi32, #tpu.memory_space<vmem>>, vector<1x128xi32>
    tpu.vector_store %arg7[%swap3A_36, %swap3A_37], %broadcast_in_dim3A_35 {strides = array<i32>} : memref<1x128xi32, #tpu.memory_space<vmem>>, vector<1x128xi32>,
    %broadcast_in_dim3A_39 = arith.constant 0.000000e+00 : f32
    %broadcast_in_dim3A_40 = vector.broadcast %broadcast_in_dim3A_39 : f32 to vector<160x128xf32>
    %swap3A_41 = arith.constant 0 : index
    %swap3A_42 = arith.constant 0 : index
    %swap3A_43 = vector.load %arg8[%swap3A_41, %swap3A_42] : memref<160x128xf32, #tpu.memory_space<vmem>>, vector<160x128xf32>
    tpu.vector_store %arg8[%swap3A_41, %swap3A_42], %broadcast_in_dim3A_40 {strides = array<i32>} : memref<160x128xf32, #tpu.memory_space<vmem>>, vector<160x128xf32>,
    %broadcast_in_dim3A_44 = arith.constant 0 : i32
    %broadcast_in_dim3A_45 = vector.broadcast %broadcast_in_dim3A_44 : i32 to vector<2x128xi32>
    %swap3A_46 = arith.constant 0 : index
    %swap3A_47 = arith.constant 0 : index
    %swap3A_48 = vector.load %arg2[%swap3A_46, %swap3A_47] : memref<2x128xi32, #tpu.memory_space<vmem>>, vector<2x128xi32>
    tpu.vector_store %arg2[%swap3A_46, %swap3A_47], %broadcast_in_dim3A_45 {strides = array<i32>} : memref<2x128xi32, #tpu.memory_space<vmem>>, vector<2x128xi32>,
    %broadcast_in_dim3A_49 = arith.constant 0.000000e+00 : f32
    %broadcast_in_dim3A_50 = vector.broadcast %broadcast_in_dim3A_49 : f32 to vector<2x128xf32>
    %swap3A_51 = arith.constant 0 : index
    %swap3A_52 = arith.constant 0 : index
    %swap3A_53 = vector.load %arg3[%swap3A_51, %swap3A_52] : memref<2x128xf32, #tpu.memory_space<vmem>>, vector<2x128xf32>
    tpu.vector_store %arg3[%swap3A_51, %swap3A_52], %broadcast_in_dim3A_50 {strides = array<i32>} : memref<2x128xf32, #tpu.memory_space<vmem>>, vector<2x128xf32>,
    %scan3A = arith.constant 0 : i32
    %scan3A_54 = arith.constant 100 : i32
    %scan3A_55 = arith.addi %scan3A, %scan3A_54 : i32
    %scan3A_56 = arith.constant 10 : i32
    scf.for %scan3A_66 = %scan3A to %scan3A_55 step %scan3A_56  : i32 {
      %get3A_67 = arith.index_cast %scan3A_66 : i32 to index
      %get3A_68 = arith.constant 0 : index
      %get3A_69 = memref.load %arg1[%get3A_67, %get3A_68] : memref<100x4xf32, #tpu.memory_space<smem>>
      %get3A_70 = arith.index_cast %scan3A_66 : i32 to index
      %get3A_71 = arith.constant 1 : index
      %get3A_72 = memref.load %arg1[%get3A_70, %get3A_71] : memref<100x4xf32, #tpu.memory_space<smem>>
      %get3A_73 = arith.index_cast %scan3A_66 : i32 to index
      %get3A_74 = arith.constant 2 : index
      %get3A_75 = memref.load %arg1[%get3A_73, %get3A_74] : memref<100x4xf32, #tpu.memory_space<smem>>
      %get3A_76 = arith.index_cast %scan3A_66 : i32 to index
      %get3A_77 = arith.constant 3 : index
      %get3A_78 = memref.load %arg1[%get3A_76, %get3A_77] : memref<100x4xf32, #tpu.memory_space<smem>>
      %sub3A_79 = arith.subf %get3A_75, %get3A_69 : f32
      %sub3A_80 = arith.subf %get3A_78, %get3A_72 : f32
      %mul3A_81 = arith.mulf %sub3A_79, %sub3A_80 : f32
      %get3A_82 = arith.constant 0 : index
      %get3A_83 = arith.constant 0 : index
      %get3A_84 = vector.load %arg4[%get3A_82, %get3A_83] : memref<160x128xf32, #tpu.memory_space<vmem>>, vector<160x128xf32>
      %max3A = vector.broadcast %get3A_69 : f32 to vector<160x128xf32>
      %max3A_85 = arith.maximumf %get3A_3, %max3A : vector<160x128xf32>
      %max3A_86 = vector.broadcast %get3A_72 : f32 to vector<160x128xf32>
      %max3A_87 = arith.maximumf %get3A_8, %max3A_86 : vector<160x128xf32>
      %min3A = vector.broadcast %get3A_75 : f32 to vector<160x128xf32>
      %min3A_88 = arith.minimumf %get3A_13, %min3A : vector<160x128xf32>
      %min3A_89 = vector.broadcast %get3A_78 : f32 to vector<160x128xf32>
      %min3A_90 = arith.minimumf %get3A_18, %min3A_89 : vector<160x128xf32>
      %sub3A_91 = arith.subf %min3A_88, %max3A_85 : vector<160x128xf32>
      %max3A_92 = arith.constant 0.000000e+00 : f32
      %max3A_93 = vector.broadcast %max3A_92 : f32 to vector<160x128xf32>
      %max3A_94 = arith.maximumf %sub3A_91, %max3A_93 : vector<160x128xf32>
      %sub3A_95 = arith.subf %min3A_90, %max3A_87 : vector<160x128xf32>
      %max3A_96 = arith.constant 0.000000e+00 : f32
      %max3A_97 = vector.broadcast %max3A_96 : f32 to vector<160x128xf32>
      %max3A_98 = arith.maximumf %sub3A_95, %max3A_97 : vector<160x128xf32>
      %mul3A_99 = arith.mulf %max3A_94, %max3A_98 : vector<160x128xf32>
      %add3A_100 = vector.broadcast %mul3A_81 : f32 to vector<160x128xf32>
      %add3A_101 = arith.addf %get3A_84, %add3A_100 : vector<160x128xf32>
      %sub3A_102 = arith.subf %add3A_101, %mul3A_99 : vector<160x128xf32>
      %max3A_103 = arith.constant 9.99999971E-10 : f32
      %max3A_104 = vector.broadcast %max3A_103 : f32 to vector<160x128xf32>
      %max3A_105 = arith.maximumf %sub3A_102, %max3A_104 : vector<160x128xf32>
      %div3A = arith.divf %mul3A_99, %max3A_105 : vector<160x128xf32>
      %get3A_106 = arith.constant 0 : index
      %get3A_107 = arith.constant 0 : index
      %get3A_108 = vector.load %arg8[%get3A_106, %get3A_107] : memref<160x128xf32, #tpu.memory_space<vmem>>, vector<160x128xf32>
      %add3A_109 = arith.addf %div3A, %get3A_108 : vector<160x128xf32>
      %reduce_max3A_110 = vector.shape_cast %add3A_109 : vector<160x128xf32> to vector<1x160x128xf32>
      %reduce_max3A_111 = arith.constant dense<0xFF800000> : vector<1xf32>
      %reduce_max3A_112 = vector.multi_reduction <maximumf>, %reduce_max3A_110, %reduce_max3A_111 [1, 2] : vector<1x160x128xf32> to vector<1xf32>
      %reduce_max3A_113 = vector.shape_cast %reduce_max3A_112 : vector<1xf32> to vector<1x1x1xf32>
      %reduce_max3A_114 = vector.extract %reduce_max3A_113[0, 0, 0] : f32 from vector<1x1x1xf32>
      %eq3A = vector.broadcast %reduce_max3A_114 : f32 to vector<160x128xf32>
      %eq3A_115 = arith.cmpf oeq, %add3A_109, %eq3A : vector<160x128xf32>
      %get3A_116 = arith.constant 0 : index
      %get3A_117 = arith.constant 0 : index
      %get3A_118 = vector.load %arg5[%get3A_116, %get3A_117] : memref<160x128xi32, #tpu.memory_space<vmem>>, vector<160x128xi32>
      %jit3A = arith.constant 1073741824 : i32
      %broadcast_in_dim3A_119 = vector.broadcast %jit3A : i32 to vector<160x128xi32>
      %select_n3A = arith.select %eq3A_115, %get3A_118, %broadcast_in_dim3A_119 : vector<160x128xi1>, vector<160x128xi32>
      %reduce_min3A = vector.shape_cast %select_n3A : vector<160x128xi32> to vector<1x160x128xi32>
      %reduce_min3A_120 = arith.constant dense<2147483647> : vector<1xi32>
      %reduce_min3A_121 = vector.multi_reduction <minsi>, %reduce_min3A, %reduce_min3A_120 [1, 2] : vector<1x160x128xi32> to vector<1xi32>
      %reduce_min3A_122 = vector.shape_cast %reduce_min3A_121 : vector<1xi32> to vector<1x1x1xi32>
      %reduce_min3A_123 = vector.extract %reduce_min3A_122[0, 0, 0] : i32 from vector<1x1x1xi32>
      %eq3A_124 = vector.broadcast %scan3A_66 : i32 to vector<1x128xi32>
      %eq3A_125 = arith.cmpi eq, %iota3A_29, %eq3A_124 : vector<1x128xi32>
      %get3A_126 = arith.constant 0 : index
      %get3A_127 = arith.constant 0 : index
      %get3A_128 = vector.load %arg6[%get3A_126, %get3A_127] : memref<1x128xf32, #tpu.memory_space<vmem>>, vector<1x128xf32>
      %broadcast_in_dim3A_129 = vector.broadcast %reduce_max3A_114 : f32 to vector<1x128xf32>
      %select_n3A_130 = arith.select %eq3A_125, %broadcast_in_dim3A_129, %get3A_128 : vector<1x128xi1>, vector<1x128xf32>
      %swap3A_131 = arith.constant 0 : index
      %swap3A_132 = arith.constant 0 : index
      %swap3A_133 = vector.load %arg6[%swap3A_131, %swap3A_132] : memref<1x128xf32, #tpu.memory_space<vmem>>, vector<1x128xf32>
      tpu.vector_store %arg6[%swap3A_131, %swap3A_132], %select_n3A_130 {strides = array<i32>} : memref<1x128xf32, #tpu.memory_space<vmem>>, vector<1x128xf32>,
      %get3A_134 = arith.constant 0 : index
      %get3A_135 = arith.constant 0 : index
      %get3A_136 = vector.load %arg7[%get3A_134, %get3A_135] : memref<1x128xi32, #tpu.memory_space<vmem>>, vector<1x128xi32>
      %broadcast_in_dim3A_137 = vector.broadcast %reduce_min3A_123 : i32 to vector<1x128xi32>
      %select_n3A_138 = arith.select %eq3A_125, %broadcast_in_dim3A_137, %get3A_136 : vector<1x128xi1>, vector<1x128xi32>
      %swap3A_139 = arith.constant 0 : index
      %swap3A_140 = arith.constant 0 : index
      %swap3A_141 = vector.load %arg7[%swap3A_139, %swap3A_140] : memref<1x128xi32, #tpu.memory_space<vmem>>, vector<1x128xi32>
      tpu.vector_store %arg7[%swap3A_139, %swap3A_140], %select_n3A_138 {strides = array<i32>} : memref<1x128xi32, #tpu.memory_space<vmem>>, vector<1x128xi32>,
      %scan3A_142 = arith.constant 1 : i32
      %scan3A_143 = arith.addi %scan3A_66, %scan3A_142 : i32
      %get3A_144 = arith.index_cast %scan3A_143 : i32 to index
      %get3A_145 = arith.constant 0 : index
      %get3A_146 = memref.load %arg1[%get3A_144, %get3A_145] : memref<100x4xf32, #tpu.memory_space<smem>>
      %get3A_147 = arith.index_cast %scan3A_143 : i32 to index
      %get3A_148 = arith.constant 1 : index
      %get3A_149 = memref.load %arg1[%get3A_147, %get3A_148] : memref<100x4xf32, #tpu.memory_space<smem>>
      %get3A_150 = arith.index_cast %scan3A_143 : i32 to index
      %get3A_151 = arith.constant 2 : index
      %get3A_152 = memref.load %arg1[%get3A_150, %get3A_151] : memref<100x4xf32, #tpu.memory_space<smem>>
      %get3A_153 = arith.index_cast %scan3A_143 : i32 to index
      %get3A_154 = arith.constant 3 : index
      %get3A_155 = memref.load %arg1[%get3A_153, %get3A_154] : memref<100x4xf32, #tpu.memory_space<smem>>
      %sub3A_156 = arith.subf %get3A_152, %get3A_146 : f32
      %sub3A_157 = arith.subf %get3A_155, %get3A_149 : f32
      %mul3A_158 = arith.mulf %sub3A_156, %sub3A_157 : f32
      %get3A_159 = arith.constant 0 : index
      %get3A_160 = arith.constant 0 : index
      %get3A_161 = vector.load %arg4[%get3A_159, %get3A_160] : memref<160x128xf32, #tpu.memory_space<vmem>>, vector<160x128xf32>
      %max3A_162 = vector.broadcast %get3A_146 : f32 to vector<160x128xf32>
      %max3A_163 = arith.maximumf %get3A_3, %max3A_162 : vector<160x128xf32>
      %max3A_164 = vector.broadcast %get3A_149 : f32 to vector<160x128xf32>
      %max3A_165 = arith.maximumf %get3A_8, %max3A_164 : vector<160x128xf32>
      %min3A_166 = vector.broadcast %get3A_152 : f32 to vector<160x128xf32>
      %min3A_167 = arith.minimumf %get3A_13, %min3A_166 : vector<160x128xf32>
      %min3A_168 = vector.broadcast %get3A_155 : f32 to vector<160x128xf32>
      %min3A_169 = arith.minimumf %get3A_18, %min3A_168 : vector<160x128xf32>
      %sub3A_170 = arith.subf %min3A_167, %max3A_163 : vector<160x128xf32>
      %max3A_171 = arith.constant 0.000000e+00 : f32
      %max3A_172 = vector.broadcast %max3A_171 : f32 to vector<160x128xf32>
      %max3A_173 = arith.maximumf %sub3A_170, %max3A_172 : vector<160x128xf32>
      %sub3A_174 = arith.subf %min3A_169, %max3A_165 : vector<160x128xf32>
      %max3A_175 = arith.constant 0.000000e+00 : f32
      %max3A_176 = vector.broadcast %max3A_175 : f32 to vector<160x128xf32>
      %max3A_177 = arith.maximumf %sub3A_174, %max3A_176 : vector<160x128xf32>
      %mul3A_178 = arith.mulf %max3A_173, %max3A_177 : vector<160x128xf32>
      %add3A_179 = vector.broadcast %mul3A_158 : f32 to vector<160x128xf32>
      %add3A_180 = arith.addf %get3A_161, %add3A_179 : vector<160x128xf32>
      %sub3A_181 = arith.subf %add3A_180, %mul3A_178 : vector<160x128xf32>
      %max3A_182 = arith.constant 9.99999971E-10 : f32
      %max3A_183 = vector.broadcast %max3A_182 : f32 to vector<160x128xf32>
      %max3A_184 = arith.maximumf %sub3A_181, %max3A_183 : vector<160x128xf32>
      %div3A_185 = arith.divf %mul3A_178, %max3A_184 : vector<160x128xf32>
      %get3A_186 = arith.constant 0 : index
      %get3A_187 = arith.constant 0 : index
      %get3A_188 = vector.load %arg8[%get3A_186, %get3A_187] : memref<160x128xf32, #tpu.memory_space<vmem>>, vector<160x128xf32>
      %add3A_189 = arith.addf %div3A_185, %get3A_188 : vector<160x128xf32>
      %reduce_max3A_190 = vector.shape_cast %add3A_189 : vector<160x128xf32> to vector<1x160x128xf32>
      %reduce_max3A_191 = arith.constant dense<0xFF800000> : vector<1xf32>
      %reduce_max3A_192 = vector.multi_reduction <maximumf>, %reduce_max3A_190, %reduce_max3A_191 [1, 2] : vector<1x160x128xf32> to vector<1xf32>
      %reduce_max3A_193 = vector.shape_cast %reduce_max3A_192 : vector<1xf32> to vector<1x1x1xf32>
      %reduce_max3A_194 = vector.extract %reduce_max3A_193[0, 0, 0] : f32 from vector<1x1x1xf32>
      %eq3A_195 = vector.broadcast %reduce_max3A_194 : f32 to vector<160x128xf32>
      %eq3A_196 = arith.cmpf oeq, %add3A_189, %eq3A_195 : vector<160x128xf32>
      %get3A_197 = arith.constant 0 : index
      %get3A_198 = arith.constant 0 : index
      %get3A_199 = vector.load %arg5[%get3A_197, %get3A_198] : memref<160x128xi32, #tpu.memory_space<vmem>>, vector<160x128xi32>
      %jit3A_200 = arith.constant 1073741824 : i32
      %broadcast_in_dim3A_201 = vector.broadcast %jit3A_200 : i32 to vector<160x128xi32>
      %select_n3A_202 = arith.select %eq3A_196, %get3A_199, %broadcast_in_dim3A_201 : vector<160x128xi1>, vector<160x128xi32>
      %reduce_min3A_203 = vector.shape_cast %select_n3A_202 : vector<160x128xi32> to vector<1x160x128xi32>
      %reduce_min3A_204 = arith.constant dense<2147483647> : vector<1xi32>
      %reduce_min3A_205 = vector.multi_reduction <minsi>, %reduce_min3A_203, %reduce_min3A_204 [1, 2] : vector<1x160x128xi32> to vector<1xi32>
      %reduce_min3A_206 = vector.shape_cast %reduce_min3A_205 : vector<1xi32> to vector<1x1x1xi32>
      %reduce_min3A_207 = vector.extract %reduce_min3A_206[0, 0, 0] : i32 from vector<1x1x1xi32>
      %eq3A_208 = vector.broadcast %scan3A_143 : i32 to vector<1x128xi32>
      %eq3A_209 = arith.cmpi eq, %iota3A_29, %eq3A_208 : vector<1x128xi32>
      %get3A_210 = arith.constant 0 : index
      %get3A_211 = arith.constant 0 : index
      %get3A_212 = vector.load %arg6[%get3A_210, %get3A_211] : memref<1x128xf32, #tpu.memory_space<vmem>>, vector<1x128xf32>
      %broadcast_in_dim3A_213 = vector.broadcast %reduce_max3A_194 : f32 to vector<1x128xf32>
      %select_n3A_214 = arith.select %eq3A_209, %broadcast_in_dim3A_213, %get3A_212 : vector<1x128xi1>, vector<1x128xf32>
      %swap3A_215 = arith.constant 0 : index
      %swap3A_216 = arith.constant 0 : index
      %swap3A_217 = vector.load %arg6[%swap3A_215, %swap3A_216] : memref<1x128xf32, #tpu.memory_space<vmem>>, vector<1x128xf32>
      tpu.vector_store %arg6[%swap3A_215, %swap3A_216], %select_n3A_214 {strides = array<i32>} : memref<1x128xf32, #tpu.memory_space<vmem>>, vector<1x128xf32>,
      %get3A_218 = arith.constant 0 : index
      %get3A_219 = arith.constant 0 : index
      %get3A_220 = vector.load %arg7[%get3A_218, %get3A_219] : memref<1x128xi32, #tpu.memory_space<vmem>>, vector<1x128xi32>
      %broadcast_in_dim3A_221 = vector.broadcast %reduce_min3A_207 : i32 to vector<1x128xi32>
      %select_n3A_222 = arith.select %eq3A_209, %broadcast_in_dim3A_221, %get3A_220 : vector<1x128xi1>, vector<1x128xi32>
      %swap3A_223 = arith.constant 0 : index
      %swap3A_224 = arith.constant 0 : index
      %swap3A_225 = vector.load %arg7[%swap3A_223, %swap3A_224] : memref<1x128xi32, #tpu.memory_space<vmem>>, vector<1x128xi32>
      tpu.vector_store %arg7[%swap3A_223, %swap3A_224], %select_n3A_222 {strides = array<i32>} : memref<1x128xi32, #tpu.memory_space<vmem>>, vector<1x128xi32>,
      %scan3A_226 = arith.constant 2 : i32
      %scan3A_227 = arith.addi %scan3A_66, %scan3A_226 : i32
      %get3A_228 = arith.index_cast %scan3A_227 : i32 to index
      %get3A_229 = arith.constant 0 : index
      %get3A_230 = memref.load %arg1[%get3A_228, %get3A_229] : memref<100x4xf32, #tpu.memory_space<smem>>
      %get3A_231 = arith.index_cast %scan3A_227 : i32 to index
      %get3A_232 = arith.constant 1 : index
      %get3A_233 = memref.load %arg1[%get3A_231, %get3A_232] : memref<100x4xf32, #tpu.memory_space<smem>>
      %get3A_234 = arith.index_cast %scan3A_227 : i32 to index
      %get3A_235 = arith.constant 2 : index
      %get3A_236 = memref.load %arg1[%get3A_234, %get3A_235] : memref<100x4xf32, #tpu.memory_space<smem>>
      %get3A_237 = arith.index_cast %scan3A_227 : i32 to index
      %get3A_238 = arith.constant 3 : index
      %get3A_239 = memref.load %arg1[%get3A_237, %get3A_238] : memref<100x4xf32, #tpu.memory_space<smem>>
      %sub3A_240 = arith.subf %get3A_236, %get3A_230 : f32
      %sub3A_241 = arith.subf %get3A_239, %get3A_233 : f32
      %mul3A_242 = arith.mulf %sub3A_240, %sub3A_241 : f32
      %get3A_243 = arith.constant 0 : index
      %get3A_244 = arith.constant 0 : index
      %get3A_245 = vector.load %arg4[%get3A_243, %get3A_244] : memref<160x128xf32, #tpu.memory_space<vmem>>, vector<160x128xf32>
      %max3A_246 = vector.broadcast %get3A_230 : f32 to vector<160x128xf32>
      %max3A_247 = arith.maximumf %get3A_3, %max3A_246 : vector<160x128xf32>
      %max3A_248 = vector.broadcast %get3A_233 : f32 to vector<160x128xf32>
      %max3A_249 = arith.maximumf %get3A_8, %max3A_248 : vector<160x128xf32>
      %min3A_250 = vector.broadcast %get3A_236 : f32 to vector<160x128xf32>
      %min3A_251 = arith.minimumf %get3A_13, %min3A_250 : vector<160x128xf32>
      %min3A_252 = vector.broadcast %get3A_239 : f32 to vector<160x128xf32>
      %min3A_253 = arith.minimumf %get3A_18, %min3A_252 : vector<160x128xf32>
      %sub3A_254 = arith.subf %min3A_251, %max3A_247 : vector<160x128xf32>
      %max3A_255 = arith.constant 0.000000e+00 : f32
      %max3A_256 = vector.broadcast %max3A_255 : f32 to vector<160x128xf32>
      %max3A_257 = arith.maximumf %sub3A_254, %max3A_256 : vector<160x128xf32>
      %sub3A_258 = arith.subf %min3A_253, %max3A_249 : vector<160x128xf32>
      %max3A_259 = arith.constant 0.000000e+00 : f32
      %max3A_260 = vector.broadcast %max3A_259 : f32 to vector<160x128xf32>
      %max3A_261 = arith.maximumf %sub3A_258, %max3A_260 : vector<160x128xf32>
      %mul3A_262 = arith.mulf %max3A_257, %max3A_261 : vector<160x128xf32>
      %add3A_263 = vector.broadcast %mul3A_242 : f32 to vector<160x128xf32>
      %add3A_264 = arith.addf %get3A_245, %add3A_263 : vector<160x128xf32>
      %sub3A_265 = arith.subf %add3A_264, %mul3A_262 : vector<160x128xf32>
      %max3A_266 = arith.constant 9.99999971E-10 : f32
      %max3A_267 = vector.broadcast %max3A_266 : f32 to vector<160x128xf32>
      %max3A_268 = arith.maximumf %sub3A_265, %max3A_267 : vector<160x128xf32>
      %div3A_269 = arith.divf %mul3A_262, %max3A_268 : vector<160x128xf32>
      %get3A_270 = arith.constant 0 : index
      %get3A_271 = arith.constant 0 : index
      %get3A_272 = vector.load %arg8[%get3A_270, %get3A_271] : memref<160x128xf32, #tpu.memory_space<vmem>>, vector<160x128xf32>
      %add3A_273 = arith.addf %div3A_269, %get3A_272 : vector<160x128xf32>
      %reduce_max3A_274 = vector.shape_cast %add3A_273 : vector<160x128xf32> to vector<1x160x128xf32>
      %reduce_max3A_275 = arith.constant dense<0xFF800000> : vector<1xf32>
      %reduce_max3A_276 = vector.multi_reduction <maximumf>, %reduce_max3A_274, %reduce_max3A_275 [1, 2] : vector<1x160x128xf32> to vector<1xf32>
      %reduce_max3A_277 = vector.shape_cast %reduce_max3A_276 : vector<1xf32> to vector<1x1x1xf32>
      %reduce_max3A_278 = vector.extract %reduce_max3A_277[0, 0, 0] : f32 from vector<1x1x1xf32>
      %eq3A_279 = vector.broadcast %reduce_max3A_278 : f32 to vector<160x128xf32>
      %eq3A_280 = arith.cmpf oeq, %add3A_273, %eq3A_279 : vector<160x128xf32>
      %get3A_281 = arith.constant 0 : index
      %get3A_282 = arith.constant 0 : index
      %get3A_283 = vector.load %arg5[%get3A_281, %get3A_282] : memref<160x128xi32, #tpu.memory_space<vmem>>, vector<160x128xi32>
      %jit3A_284 = arith.constant 1073741824 : i32
      %broadcast_in_dim3A_285 = vector.broadcast %jit3A_284 : i32 to vector<160x128xi32>
      %select_n3A_286 = arith.select %eq3A_280, %get3A_283, %broadcast_in_dim3A_285 : vector<160x128xi1>, vector<160x128xi32>
      %reduce_min3A_287 = vector.shape_cast %select_n3A_286 : vector<160x128xi32> to vector<1x160x128xi32>
      %reduce_min3A_288 = arith.constant dense<2147483647> : vector<1xi32>
      %reduce_min3A_289 = vector.multi_reduction <minsi>, %reduce_min3A_287, %reduce_min3A_288 [1, 2] : vector<1x160x128xi32> to vector<1xi32>
      %reduce_min3A_290 = vector.shape_cast %reduce_min3A_289 : vector<1xi32> to vector<1x1x1xi32>
      %reduce_min3A_291 = vector.extract %reduce_min3A_290[0, 0, 0] : i32 from vector<1x1x1xi32>
      %eq3A_292 = vector.broadcast %scan3A_227 : i32 to vector<1x128xi32>
      %eq3A_293 = arith.cmpi eq, %iota3A_29, %eq3A_292 : vector<1x128xi32>
      %get3A_294 = arith.constant 0 : index
      %get3A_295 = arith.constant 0 : index
      %get3A_296 = vector.load %arg6[%get3A_294, %get3A_295] : memref<1x128xf32, #tpu.memory_space<vmem>>, vector<1x128xf32>
      %broadcast_in_dim3A_297 = vector.broadcast %reduce_max3A_278 : f32 to vector<1x128xf32>
      %select_n3A_298 = arith.select %eq3A_293, %broadcast_in_dim3A_297, %get3A_296 : vector<1x128xi1>, vector<1x128xf32>
      %swap3A_299 = arith.constant 0 : index
      %swap3A_300 = arith.constant 0 : index
      %swap3A_301 = vector.load %arg6[%swap3A_299, %swap3A_300] : memref<1x128xf32, #tpu.memory_space<vmem>>, vector<1x128xf32>
      tpu.vector_store %arg6[%swap3A_299, %swap3A_300], %select_n3A_298 {strides = array<i32>} : memref<1x128xf32, #tpu.memory_space<vmem>>, vector<1x128xf32>,
      %get3A_302 = arith.constant 0 : index
      %get3A_303 = arith.constant 0 : index
      %get3A_304 = vector.load %arg7[%get3A_302, %get3A_303] : memref<1x128xi32, #tpu.memory_space<vmem>>, vector<1x128xi32>
      %broadcast_in_dim3A_305 = vector.broadcast %reduce_min3A_291 : i32 to vector<1x128xi32>
      %select_n3A_306 = arith.select %eq3A_293, %broadcast_in_dim3A_305, %get3A_304 : vector<1x128xi1>, vector<1x128xi32>
      %swap3A_307 = arith.constant 0 : index
      %swap3A_308 = arith.constant 0 : index
      %swap3A_309 = vector.load %arg7[%swap3A_307, %swap3A_308] : memref<1x128xi32, #tpu.memory_space<vmem>>, vector<1x128xi32>
      tpu.vector_store %arg7[%swap3A_307, %swap3A_308], %select_n3A_306 {strides = array<i32>} : memref<1x128xi32, #tpu.memory_space<vmem>>, vector<1x128xi32>,
      %scan3A_310 = arith.constant 3 : i32
      %scan3A_311 = arith.addi %scan3A_66, %scan3A_310 : i32
      %get3A_312 = arith.index_cast %scan3A_311 : i32 to index
      %get3A_313 = arith.constant 0 : index
      %get3A_314 = memref.load %arg1[%get3A_312, %get3A_313] : memref<100x4xf32, #tpu.memory_space<smem>>
      %get3A_315 = arith.index_cast %scan3A_311 : i32 to index
      %get3A_316 = arith.constant 1 : index
      %get3A_317 = memref.load %arg1[%get3A_315, %get3A_316] : memref<100x4xf32, #tpu.memory_space<smem>>
      %get3A_318 = arith.index_cast %scan3A_311 : i32 to index
      %get3A_319 = arith.constant 2 : index
      %get3A_320 = memref.load %arg1[%get3A_318, %get3A_319] : memref<100x4xf32, #tpu.memory_space<smem>>
      %get3A_321 = arith.index_cast %scan3A_311 : i32 to index
      %get3A_322 = arith.constant 3 : index
      %get3A_323 = memref.load %arg1[%get3A_321, %get3A_322] : memref<100x4xf32, #tpu.memory_space<smem>>
      %sub3A_324 = arith.subf %get3A_320, %get3A_314 : f32
      %sub3A_325 = arith.subf %get3A_323, %get3A_317 : f32
      %mul3A_326 = arith.mulf %sub3A_324, %sub3A_325 : f32
      %get3A_327 = arith.constant 0 : index
      %get3A_328 = arith.constant 0 : index
      %get3A_329 = vector.load %arg4[%get3A_327, %get3A_328] : memref<160x128xf32, #tpu.memory_space<vmem>>, vector<160x128xf32>
      %max3A_330 = vector.broadcast %get3A_314 : f32 to vector<160x128xf32>
      %max3A_331 = arith.maximumf %get3A_3, %max3A_330 : vector<160x128xf32>
      %max3A_332 = vector.broadcast %get3A_317 : f32 to vector<160x128xf32>
      %max3A_333 = arith.maximumf %get3A_8, %max3A_332 : vector<160x128xf32>
      %min3A_334 = vector.broadcast %get3A_320 : f32 to vector<160x128xf32>
      %min3A_335 = arith.minimumf %get3A_13, %min3A_334 : vector<160x128xf32>
      %min3A_336 = vector.broadcast %get3A_323 : f32 to vector<160x128xf32>
      %min3A_337 = arith.minimumf %get3A_18, %min3A_336 : vector<160x128xf32>
      %sub3A_338 = arith.subf %min3A_335, %max3A_331 : vector<160x128xf32>
      %max3A_339 = arith.constant 0.000000e+00 : f32
      %max3A_340 = vector.broadcast %max3A_339 : f32 to vector<160x128xf32>
      %max3A_341 = arith.maximumf %sub3A_338, %max3A_340 : vector<160x128xf32>
      %sub3A_342 = arith.subf %min3A_337, %max3A_333 : vector<160x128xf32>
      %max3A_343 = arith.constant 0.000000e+00 : f32
      %max3A_344 = vector.broadcast %max3A_343 : f32 to vector<160x128xf32>
      %max3A_345 = arith.maximumf %sub3A_342, %max3A_344 : vector<160x128xf32>
      %mul3A_346 = arith.mulf %max3A_341, %max3A_345 : vector<160x128xf32>
      %add3A_347 = vector.broadcast %mul3A_326 : f32 to vector<160x128xf32>
      %add3A_348 = arith.addf %get3A_329, %add3A_347 : vector<160x128xf32>
      %sub3A_349 = arith.subf %add3A_348, %mul3A_346 : vector<160x128xf32>
      %max3A_350 = arith.constant 9.99999971E-10 : f32
      %max3A_351 = vector.broadcast %max3A_350 : f32 to vector<160x128xf32>
      %max3A_352 = arith.maximumf %sub3A_349, %max3A_351 : vector<160x128xf32>
      %div3A_353 = arith.divf %mul3A_346, %max3A_352 : vector<160x128xf32>
      %get3A_354 = arith.constant 0 : index
      %get3A_355 = arith.constant 0 : index
      %get3A_356 = vector.load %arg8[%get3A_354, %get3A_355] : memref<160x128xf32, #tpu.memory_space<vmem>>, vector<160x128xf32>
      %add3A_357 = arith.addf %div3A_353, %get3A_356 : vector<160x128xf32>
      %reduce_max3A_358 = vector.shape_cast %add3A_357 : vector<160x128xf32> to vector<1x160x128xf32>
      %reduce_max3A_359 = arith.constant dense<0xFF800000> : vector<1xf32>
      %reduce_max3A_360 = vector.multi_reduction <maximumf>, %reduce_max3A_358, %reduce_max3A_359 [1, 2] : vector<1x160x128xf32> to vector<1xf32>
      %reduce_max3A_361 = vector.shape_cast %reduce_max3A_360 : vector<1xf32> to vector<1x1x1xf32>
      %reduce_max3A_362 = vector.extract %reduce_max3A_361[0, 0, 0] : f32 from vector<1x1x1xf32>
      %eq3A_363 = vector.broadcast %reduce_max3A_362 : f32 to vector<160x128xf32>
      %eq3A_364 = arith.cmpf oeq, %add3A_357, %eq3A_363 : vector<160x128xf32>
      %get3A_365 = arith.constant 0 : index
      %get3A_366 = arith.constant 0 : index
      %get3A_367 = vector.load %arg5[%get3A_365, %get3A_366] : memref<160x128xi32, #tpu.memory_space<vmem>>, vector<160x128xi32>
      %jit3A_368 = arith.constant 1073741824 : i32
      %broadcast_in_dim3A_369 = vector.broadcast %jit3A_368 : i32 to vector<160x128xi32>
      %select_n3A_370 = arith.select %eq3A_364, %get3A_367, %broadcast_in_dim3A_369 : vector<160x128xi1>, vector<160x128xi32>
      %reduce_min3A_371 = vector.shape_cast %select_n3A_370 : vector<160x128xi32> to vector<1x160x128xi32>
      %reduce_min3A_372 = arith.constant dense<2147483647> : vector<1xi32>
      %reduce_min3A_373 = vector.multi_reduction <minsi>, %reduce_min3A_371, %reduce_min3A_372 [1, 2] : vector<1x160x128xi32> to vector<1xi32>
      %reduce_min3A_374 = vector.shape_cast %reduce_min3A_373 : vector<1xi32> to vector<1x1x1xi32>
      %reduce_min3A_375 = vector.extract %reduce_min3A_374[0, 0, 0] : i32 from vector<1x1x1xi32>
      %eq3A_376 = vector.broadcast %scan3A_311 : i32 to vector<1x128xi32>
      %eq3A_377 = arith.cmpi eq, %iota3A_29, %eq3A_376 : vector<1x128xi32>
      %get3A_378 = arith.constant 0 : index
      %get3A_379 = arith.constant 0 : index
      %get3A_380 = vector.load %arg6[%get3A_378, %get3A_379] : memref<1x128xf32, #tpu.memory_space<vmem>>, vector<1x128xf32>
      %broadcast_in_dim3A_381 = vector.broadcast %reduce_max3A_362 : f32 to vector<1x128xf32>
      %select_n3A_382 = arith.select %eq3A_377, %broadcast_in_dim3A_381, %get3A_380 : vector<1x128xi1>, vector<1x128xf32>
      %swap3A_383 = arith.constant 0 : index
      %swap3A_384 = arith.constant 0 : index
      %swap3A_385 = vector.load %arg6[%swap3A_383, %swap3A_384] : memref<1x128xf32, #tpu.memory_space<vmem>>, vector<1x128xf32>
      tpu.vector_store %arg6[%swap3A_383, %swap3A_384], %select_n3A_382 {strides = array<i32>} : memref<1x128xf32, #tpu.memory_space<vmem>>, vector<1x128xf32>,
      %get3A_386 = arith.constant 0 : index
      %get3A_387 = arith.constant 0 : index
      %get3A_388 = vector.load %arg7[%get3A_386, %get3A_387] : memref<1x128xi32, #tpu.memory_space<vmem>>, vector<1x128xi32>
      %broadcast_in_dim3A_389 = vector.broadcast %reduce_min3A_375 : i32 to vector<1x128xi32>
      %select_n3A_390 = arith.select %eq3A_377, %broadcast_in_dim3A_389, %get3A_388 : vector<1x128xi1>, vector<1x128xi32>
      %swap3A_391 = arith.constant 0 : index
      %swap3A_392 = arith.constant 0 : index
      %swap3A_393 = vector.load %arg7[%swap3A_391, %swap3A_392] : memref<1x128xi32, #tpu.memory_space<vmem>>, vector<1x128xi32>
      tpu.vector_store %arg7[%swap3A_391, %swap3A_392], %select_n3A_390 {strides = array<i32>} : memref<1x128xi32, #tpu.memory_space<vmem>>, vector<1x128xi32>,
      %scan3A_394 = arith.constant 4 : i32
      %scan3A_395 = arith.addi %scan3A_66, %scan3A_394 : i32
      %get3A_396 = arith.index_cast %scan3A_395 : i32 to index
      %get3A_397 = arith.constant 0 : index
      %get3A_398 = memref.load %arg1[%get3A_396, %get3A_397] : memref<100x4xf32, #tpu.memory_space<smem>>
      %get3A_399 = arith.index_cast %scan3A_395 : i32 to index
      %get3A_400 = arith.constant 1 : index
      %get3A_401 = memref.load %arg1[%get3A_399, %get3A_400] : memref<100x4xf32, #tpu.memory_space<smem>>
      %get3A_402 = arith.index_cast %scan3A_395 : i32 to index
      %get3A_403 = arith.constant 2 : index
      %get3A_404 = memref.load %arg1[%get3A_402, %get3A_403] : memref<100x4xf32, #tpu.memory_space<smem>>
      %get3A_405 = arith.index_cast %scan3A_395 : i32 to index
      %get3A_406 = arith.constant 3 : index
      %get3A_407 = memref.load %arg1[%get3A_405, %get3A_406] : memref<100x4xf32, #tpu.memory_space<smem>>
      %sub3A_408 = arith.subf %get3A_404, %get3A_398 : f32
      %sub3A_409 = arith.subf %get3A_407, %get3A_401 : f32
      %mul3A_410 = arith.mulf %sub3A_408, %sub3A_409 : f32
      %get3A_411 = arith.constant 0 : index
      %get3A_412 = arith.constant 0 : index
      %get3A_413 = vector.load %arg4[%get3A_411, %get3A_412] : memref<160x128xf32, #tpu.memory_space<vmem>>, vector<160x128xf32>
      %max3A_414 = vector.broadcast %get3A_398 : f32 to vector<160x128xf32>
      %max3A_415 = arith.maximumf %get3A_3, %max3A_414 : vector<160x128xf32>
      %max3A_416 = vector.broadcast %get3A_401 : f32 to vector<160x128xf32>
      %max3A_417 = arith.maximumf %get3A_8, %max3A_416 : vector<160x128xf32>
      %min3A_418 = vector.broadcast %get3A_404 : f32 to vector<160x128xf32>
      %min3A_419 = arith.minimumf %get3A_13, %min3A_418 : vector<160x128xf32>
      %min3A_420 = vector.broadcast %get3A_407 : f32 to vector<160x128xf32>
      %min3A_421 = arith.minimumf %get3A_18, %min3A_420 : vector<160x128xf32>
      %sub3A_422 = arith.subf %min3A_419, %max3A_415 : vector<160x128xf32>
      %max3A_423 = arith.constant 0.000000e+00 : f32
      %max3A_424 = vector.broadcast %max3A_423 : f32 to vector<160x128xf32>
      %max3A_425 = arith.maximumf %sub3A_422, %max3A_424 : vector<160x128xf32>
      %sub3A_426 = arith.subf %min3A_421, %max3A_417 : vector<160x128xf32>
      %max3A_427 = arith.constant 0.000000e+00 : f32
      %max3A_428 = vector.broadcast %max3A_427 : f32 to vector<160x128xf32>
      %max3A_429 = arith.maximumf %sub3A_426, %max3A_428 : vector<160x128xf32>
      %mul3A_430 = arith.mulf %max3A_425, %max3A_429 : vector<160x128xf32>
      %add3A_431 = vector.broadcast %mul3A_410 : f32 to vector<160x128xf32>
      %add3A_432 = arith.addf %get3A_413, %add3A_431 : vector<160x128xf32>
      %sub3A_433 = arith.subf %add3A_432, %mul3A_430 : vector<160x128xf32>
      %max3A_434 = arith.constant 9.99999971E-10 : f32
      %max3A_435 = vector.broadcast %max3A_434 : f32 to vector<160x128xf32>
      %max3A_436 = arith.maximumf %sub3A_433, %max3A_435 : vector<160x128xf32>
      %div3A_437 = arith.divf %mul3A_430, %max3A_436 : vector<160x128xf32>
      %get3A_438 = arith.constant 0 : index
      %get3A_439 = arith.constant 0 : index
      %get3A_440 = vector.load %arg8[%get3A_438, %get3A_439] : memref<160x128xf32, #tpu.memory_space<vmem>>, vector<160x128xf32>
      %add3A_441 = arith.addf %div3A_437, %get3A_440 : vector<160x128xf32>
      %reduce_max3A_442 = vector.shape_cast %add3A_441 : vector<160x128xf32> to vector<1x160x128xf32>
      %reduce_max3A_443 = arith.constant dense<0xFF800000> : vector<1xf32>
      %reduce_max3A_444 = vector.multi_reduction <maximumf>, %reduce_max3A_442, %reduce_max3A_443 [1, 2] : vector<1x160x128xf32> to vector<1xf32>
      %reduce_max3A_445 = vector.shape_cast %reduce_max3A_444 : vector<1xf32> to vector<1x1x1xf32>
      %reduce_max3A_446 = vector.extract %reduce_max3A_445[0, 0, 0] : f32 from vector<1x1x1xf32>
      %eq3A_447 = vector.broadcast %reduce_max3A_446 : f32 to vector<160x128xf32>
      %eq3A_448 = arith.cmpf oeq, %add3A_441, %eq3A_447 : vector<160x128xf32>
      %get3A_449 = arith.constant 0 : index
      %get3A_450 = arith.constant 0 : index
      %get3A_451 = vector.load %arg5[%get3A_449, %get3A_450] : memref<160x128xi32, #tpu.memory_space<vmem>>, vector<160x128xi32>
      %jit3A_452 = arith.constant 1073741824 : i32
      %broadcast_in_dim3A_453 = vector.broadcast %jit3A_452 : i32 to vector<160x128xi32>
      %select_n3A_454 = arith.select %eq3A_448, %get3A_451, %broadcast_in_dim3A_453 : vector<160x128xi1>, vector<160x128xi32>
      %reduce_min3A_455 = vector.shape_cast %select_n3A_454 : vector<160x128xi32> to vector<1x160x128xi32>
      %reduce_min3A_456 = arith.constant dense<2147483647> : vector<1xi32>
      %reduce_min3A_457 = vector.multi_reduction <minsi>, %reduce_min3A_455, %reduce_min3A_456 [1, 2] : vector<1x160x128xi32> to vector<1xi32>
      %reduce_min3A_458 = vector.shape_cast %reduce_min3A_457 : vector<1xi32> to vector<1x1x1xi32>
      %reduce_min3A_459 = vector.extract %reduce_min3A_458[0, 0, 0] : i32 from vector<1x1x1xi32>
      %eq3A_460 = vector.broadcast %scan3A_395 : i32 to vector<1x128xi32>
      %eq3A_461 = arith.cmpi eq, %iota3A_29, %eq3A_460 : vector<1x128xi32>
      %get3A_462 = arith.constant 0 : index
      %get3A_463 = arith.constant 0 : index
      %get3A_464 = vector.load %arg6[%get3A_462, %get3A_463] : memref<1x128xf32, #tpu.memory_space<vmem>>, vector<1x128xf32>
      %broadcast_in_dim3A_465 = vector.broadcast %reduce_max3A_446 : f32 to vector<1x128xf32>
      %select_n3A_466 = arith.select %eq3A_461, %broadcast_in_dim3A_465, %get3A_464 : vector<1x128xi1>, vector<1x128xf32>
      %swap3A_467 = arith.constant 0 : index
      %swap3A_468 = arith.constant 0 : index
      %swap3A_469 = vector.load %arg6[%swap3A_467, %swap3A_468] : memref<1x128xf32, #tpu.memory_space<vmem>>, vector<1x128xf32>
      tpu.vector_store %arg6[%swap3A_467, %swap3A_468], %select_n3A_466 {strides = array<i32>} : memref<1x128xf32, #tpu.memory_space<vmem>>, vector<1x128xf32>,
      %get3A_470 = arith.constant 0 : index
      %get3A_471 = arith.constant 0 : index
      %get3A_472 = vector.load %arg7[%get3A_470, %get3A_471] : memref<1x128xi32, #tpu.memory_space<vmem>>, vector<1x128xi32>
      %broadcast_in_dim3A_473 = vector.broadcast %reduce_min3A_459 : i32 to vector<1x128xi32>
      %select_n3A_474 = arith.select %eq3A_461, %broadcast_in_dim3A_473, %get3A_472 : vector<1x128xi1>, vector<1x128xi32>
      %swap3A_475 = arith.constant 0 : index
      %swap3A_476 = arith.constant 0 : index
      %swap3A_477 = vector.load %arg7[%swap3A_475, %swap3A_476] : memref<1x128xi32, #tpu.memory_space<vmem>>, vector<1x128xi32>
      tpu.vector_store %arg7[%swap3A_475, %swap3A_476], %select_n3A_474 {strides = array<i32>} : memref<1x128xi32, #tpu.memory_space<vmem>>, vector<1x128xi32>,
      %scan3A_478 = arith.constant 5 : i32
      %scan3A_479 = arith.addi %scan3A_66, %scan3A_478 : i32
      %get3A_480 = arith.index_cast %scan3A_479 : i32 to index
      %get3A_481 = arith.constant 0 : index
      %get3A_482 = memref.load %arg1[%get3A_480, %get3A_481] : memref<100x4xf32, #tpu.memory_space<smem>>
      %get3A_483 = arith.index_cast %scan3A_479 : i32 to index
      %get3A_484 = arith.constant 1 : index
      %get3A_485 = memref.load %arg1[%get3A_483, %get3A_484] : memref<100x4xf32, #tpu.memory_space<smem>>
      %get3A_486 = arith.index_cast %scan3A_479 : i32 to index
      %get3A_487 = arith.constant 2 : index
      %get3A_488 = memref.load %arg1[%get3A_486, %get3A_487] : memref<100x4xf32, #tpu.memory_space<smem>>
      %get3A_489 = arith.index_cast %scan3A_479 : i32 to index
      %get3A_490 = arith.constant 3 : index
      %get3A_491 = memref.load %arg1[%get3A_489, %get3A_490] : memref<100x4xf32, #tpu.memory_space<smem>>
      %sub3A_492 = arith.subf %get3A_488, %get3A_482 : f32
      %sub3A_493 = arith.subf %get3A_491, %get3A_485 : f32
      %mul3A_494 = arith.mulf %sub3A_492, %sub3A_493 : f32
      %get3A_495 = arith.constant 0 : index
      %get3A_496 = arith.constant 0 : index
      %get3A_497 = vector.load %arg4[%get3A_495, %get3A_496] : memref<160x128xf32, #tpu.memory_space<vmem>>, vector<160x128xf32>
      %max3A_498 = vector.broadcast %get3A_482 : f32 to vector<160x128xf32>
      %max3A_499 = arith.maximumf %get3A_3, %max3A_498 : vector<160x128xf32>
      %max3A_500 = vector.broadcast %get3A_485 : f32 to vector<160x128xf32>
      %max3A_501 = arith.maximumf %get3A_8, %max3A_500 : vector<160x128xf32>
      %min3A_502 = vector.broadcast %get3A_488 : f32 to vector<160x128xf32>
      %min3A_503 = arith.minimumf %get3A_13, %min3A_502 : vector<160x128xf32>
      %min3A_504 = vector.broadcast %get3A_491 : f32 to vector<160x128xf32>
      %min3A_505 = arith.minimumf %get3A_18, %min3A_504 : vector<160x128xf32>
      %sub3A_506 = arith.subf %min3A_503, %max3A_499 : vector<160x128xf32>
      %max3A_507 = arith.constant 0.000000e+00 : f32
      %max3A_508 = vector.broadcast %max3A_507 : f32 to vector<160x128xf32>
      %max3A_509 = arith.maximumf %sub3A_506, %max3A_508 : vector<160x128xf32>
      %sub3A_510 = arith.subf %min3A_505, %max3A_501 : vector<160x128xf32>
      %max3A_511 = arith.constant 0.000000e+00 : f32
      %max3A_512 = vector.broadcast %max3A_511 : f32 to vector<160x128xf32>
      %max3A_513 = arith.maximumf %sub3A_510, %max3A_512 : vector<160x128xf32>
      %mul3A_514 = arith.mulf %max3A_509, %max3A_513 : vector<160x128xf32>
      %add3A_515 = vector.broadcast %mul3A_494 : f32 to vector<160x128xf32>
      %add3A_516 = arith.addf %get3A_497, %add3A_515 : vector<160x128xf32>
      %sub3A_517 = arith.subf %add3A_516, %mul3A_514 : vector<160x128xf32>
      %max3A_518 = arith.constant 9.99999971E-10 : f32
      %max3A_519 = vector.broadcast %max3A_518 : f32 to vector<160x128xf32>
      %max3A_520 = arith.maximumf %sub3A_517, %max3A_519 : vector<160x128xf32>
      %div3A_521 = arith.divf %mul3A_514, %max3A_520 : vector<160x128xf32>
      %get3A_522 = arith.constant 0 : index
      %get3A_523 = arith.constant 0 : index
      %get3A_524 = vector.load %arg8[%get3A_522, %get3A_523] : memref<160x128xf32, #tpu.memory_space<vmem>>, vector<160x128xf32>
      %add3A_525 = arith.addf %div3A_521, %get3A_524 : vector<160x128xf32>
      %reduce_max3A_526 = vector.shape_cast %add3A_525 : vector<160x128xf32> to vector<1x160x128xf32>
      %reduce_max3A_527 = arith.constant dense<0xFF800000> : vector<1xf32>
      %reduce_max3A_528 = vector.multi_reduction <maximumf>, %reduce_max3A_526, %reduce_max3A_527 [1, 2] : vector<1x160x128xf32> to vector<1xf32>
      %reduce_max3A_529 = vector.shape_cast %reduce_max3A_528 : vector<1xf32> to vector<1x1x1xf32>
      %reduce_max3A_530 = vector.extract %reduce_max3A_529[0, 0, 0] : f32 from vector<1x1x1xf32>
      %eq3A_531 = vector.broadcast %reduce_max3A_530 : f32 to vector<160x128xf32>
      %eq3A_532 = arith.cmpf oeq, %add3A_525, %eq3A_531 : vector<160x128xf32>
      %get3A_533 = arith.constant 0 : index
      %get3A_534 = arith.constant 0 : index
      %get3A_535 = vector.load %arg5[%get3A_533, %get3A_534] : memref<160x128xi32, #tpu.memory_space<vmem>>, vector<160x128xi32>
      %jit3A_536 = arith.constant 1073741824 : i32
      %broadcast_in_dim3A_537 = vector.broadcast %jit3A_536 : i32 to vector<160x128xi32>
      %select_n3A_538 = arith.select %eq3A_532, %get3A_535, %broadcast_in_dim3A_537 : vector<160x128xi1>, vector<160x128xi32>
      %reduce_min3A_539 = vector.shape_cast %select_n3A_538 : vector<160x128xi32> to vector<1x160x128xi32>
      %reduce_min3A_540 = arith.constant dense<2147483647> : vector<1xi32>
      %reduce_min3A_541 = vector.multi_reduction <minsi>, %reduce_min3A_539, %reduce_min3A_540 [1, 2] : vector<1x160x128xi32> to vector<1xi32>
      %reduce_min3A_542 = vector.shape_cast %reduce_min3A_541 : vector<1xi32> to vector<1x1x1xi32>
      %reduce_min3A_543 = vector.extract %reduce_min3A_542[0, 0, 0] : i32 from vector<1x1x1xi32>
      %eq3A_544 = vector.broadcast %scan3A_479 : i32 to vector<1x128xi32>
      %eq3A_545 = arith.cmpi eq, %iota3A_29, %eq3A_544 : vector<1x128xi32>
      %get3A_546 = arith.constant 0 : index
      %get3A_547 = arith.constant 0 : index
      %get3A_548 = vector.load %arg6[%get3A_546, %get3A_547] : memref<1x128xf32, #tpu.memory_space<vmem>>, vector<1x128xf32>
      %broadcast_in_dim3A_549 = vector.broadcast %reduce_max3A_530 : f32 to vector<1x128xf32>
      %select_n3A_550 = arith.select %eq3A_545, %broadcast_in_dim3A_549, %get3A_548 : vector<1x128xi1>, vector<1x128xf32>
      %swap3A_551 = arith.constant 0 : index
      %swap3A_552 = arith.constant 0 : index
      %swap3A_553 = vector.load %arg6[%swap3A_551, %swap3A_552] : memref<1x128xf32, #tpu.memory_space<vmem>>, vector<1x128xf32>
      tpu.vector_store %arg6[%swap3A_551, %swap3A_552], %select_n3A_550 {strides = array<i32>} : memref<1x128xf32, #tpu.memory_space<vmem>>, vector<1x128xf32>,
      %get3A_554 = arith.constant 0 : index
      %get3A_555 = arith.constant 0 : index
      %get3A_556 = vector.load %arg7[%get3A_554, %get3A_555] : memref<1x128xi32, #tpu.memory_space<vmem>>, vector<1x128xi32>
      %broadcast_in_dim3A_557 = vector.broadcast %reduce_min3A_543 : i32 to vector<1x128xi32>
      %select_n3A_558 = arith.select %eq3A_545, %broadcast_in_dim3A_557, %get3A_556 : vector<1x128xi1>, vector<1x128xi32>
      %swap3A_559 = arith.constant 0 : index
      %swap3A_560 = arith.constant 0 : index
      %swap3A_561 = vector.load %arg7[%swap3A_559, %swap3A_560] : memref<1x128xi32, #tpu.memory_space<vmem>>, vector<1x128xi32>
      tpu.vector_store %arg7[%swap3A_559, %swap3A_560], %select_n3A_558 {strides = array<i32>} : memref<1x128xi32, #tpu.memory_space<vmem>>, vector<1x128xi32>,
      %scan3A_562 = arith.constant 6 : i32
      %scan3A_563 = arith.addi %scan3A_66, %scan3A_562 : i32
      %get3A_564 = arith.index_cast %scan3A_563 : i32 to index
      %get3A_565 = arith.constant 0 : index
      %get3A_566 = memref.load %arg1[%get3A_564, %get3A_565] : memref<100x4xf32, #tpu.memory_space<smem>>
      %get3A_567 = arith.index_cast %scan3A_563 : i32 to index
      %get3A_568 = arith.constant 1 : index
      %get3A_569 = memref.load %arg1[%get3A_567, %get3A_568] : memref<100x4xf32, #tpu.memory_space<smem>>
      %get3A_570 = arith.index_cast %scan3A_563 : i32 to index
      %get3A_571 = arith.constant 2 : index
      %get3A_572 = memref.load %arg1[%get3A_570, %get3A_571] : memref<100x4xf32, #tpu.memory_space<smem>>
      %get3A_573 = arith.index_cast %scan3A_563 : i32 to index
      %get3A_574 = arith.constant 3 : index
      %get3A_575 = memref.load %arg1[%get3A_573, %get3A_574] : memref<100x4xf32, #tpu.memory_space<smem>>
      %sub3A_576 = arith.subf %get3A_572, %get3A_566 : f32
      %sub3A_577 = arith.subf %get3A_575, %get3A_569 : f32
      %mul3A_578 = arith.mulf %sub3A_576, %sub3A_577 : f32
      %get3A_579 = arith.constant 0 : index
      %get3A_580 = arith.constant 0 : index
      %get3A_581 = vector.load %arg4[%get3A_579, %get3A_580] : memref<160x128xf32, #tpu.memory_space<vmem>>, vector<160x128xf32>
      %max3A_582 = vector.broadcast %get3A_566 : f32 to vector<160x128xf32>
      %max3A_583 = arith.maximumf %get3A_3, %max3A_582 : vector<160x128xf32>
      %max3A_584 = vector.broadcast %get3A_569 : f32 to vector<160x128xf32>
      %max3A_585 = arith.maximumf %get3A_8, %max3A_584 : vector<160x128xf32>
      %min3A_586 = vector.broadcast %get3A_572 : f32 to vector<160x128xf32>
      %min3A_587 = arith.minimumf %get3A_13, %min3A_586 : vector<160x128xf32>
      %min3A_588 = vector.broadcast %get3A_575 : f32 to vector<160x128xf32>
      %min3A_589 = arith.minimumf %get3A_18, %min3A_588 : vector<160x128xf32>
      %sub3A_590 = arith.subf %min3A_587, %max3A_583 : vector<160x128xf32>
      %max3A_591 = arith.constant 0.000000e+00 : f32
      %max3A_592 = vector.broadcast %max3A_591 : f32 to vector<160x128xf32>
      %max3A_593 = arith.maximumf %sub3A_590, %max3A_592 : vector<160x128xf32>
      %sub3A_594 = arith.subf %min3A_589, %max3A_585 : vector<160x128xf32>
      %max3A_595 = arith.constant 0.000000e+00 : f32
      %max3A_596 = vector.broadcast %max3A_595 : f32 to vector<160x128xf32>
      %max3A_597 = arith.maximumf %sub3A_594, %max3A_596 : vector<160x128xf32>
      %mul3A_598 = arith.mulf %max3A_593, %max3A_597 : vector<160x128xf32>
      %add3A_599 = vector.broadcast %mul3A_578 : f32 to vector<160x128xf32>
      %add3A_600 = arith.addf %get3A_581, %add3A_599 : vector<160x128xf32>
      %sub3A_601 = arith.subf %add3A_600, %mul3A_598 : vector<160x128xf32>
      %max3A_602 = arith.constant 9.99999971E-10 : f32
      %max3A_603 = vector.broadcast %max3A_602 : f32 to vector<160x128xf32>
      %max3A_604 = arith.maximumf %sub3A_601, %max3A_603 : vector<160x128xf32>
      %div3A_605 = arith.divf %mul3A_598, %max3A_604 : vector<160x128xf32>
      %get3A_606 = arith.constant 0 : index
      %get3A_607 = arith.constant 0 : index
      %get3A_608 = vector.load %arg8[%get3A_606, %get3A_607] : memref<160x128xf32, #tpu.memory_space<vmem>>, vector<160x128xf32>
      %add3A_609 = arith.addf %div3A_605, %get3A_608 : vector<160x128xf32>
      %reduce_max3A_610 = vector.shape_cast %add3A_609 : vector<160x128xf32> to vector<1x160x128xf32>
      %reduce_max3A_611 = arith.constant dense<0xFF800000> : vector<1xf32>
      %reduce_max3A_612 = vector.multi_reduction <maximumf>, %reduce_max3A_610, %reduce_max3A_611 [1, 2] : vector<1x160x128xf32> to vector<1xf32>
      %reduce_max3A_613 = vector.shape_cast %reduce_max3A_612 : vector<1xf32> to vector<1x1x1xf32>
      %reduce_max3A_614 = vector.extract %reduce_max3A_613[0, 0, 0] : f32 from vector<1x1x1xf32>
      %eq3A_615 = vector.broadcast %reduce_max3A_614 : f32 to vector<160x128xf32>
      %eq3A_616 = arith.cmpf oeq, %add3A_609, %eq3A_615 : vector<160x128xf32>
      %get3A_617 = arith.constant 0 : index
      %get3A_618 = arith.constant 0 : index
      %get3A_619 = vector.load %arg5[%get3A_617, %get3A_618] : memref<160x128xi32, #tpu.memory_space<vmem>>, vector<160x128xi32>
      %jit3A_620 = arith.constant 1073741824 : i32
      %broadcast_in_dim3A_621 = vector.broadcast %jit3A_620 : i32 to vector<160x128xi32>
      %select_n3A_622 = arith.select %eq3A_616, %get3A_619, %broadcast_in_dim3A_621 : vector<160x128xi1>, vector<160x128xi32>
      %reduce_min3A_623 = vector.shape_cast %select_n3A_622 : vector<160x128xi32> to vector<1x160x128xi32>
      %reduce_min3A_624 = arith.constant dense<2147483647> : vector<1xi32>
      %reduce_min3A_625 = vector.multi_reduction <minsi>, %reduce_min3A_623, %reduce_min3A_624 [1, 2] : vector<1x160x128xi32> to vector<1xi32>
      %reduce_min3A_626 = vector.shape_cast %reduce_min3A_625 : vector<1xi32> to vector<1x1x1xi32>
      %reduce_min3A_627 = vector.extract %reduce_min3A_626[0, 0, 0] : i32 from vector<1x1x1xi32>
      %eq3A_628 = vector.broadcast %scan3A_563 : i32 to vector<1x128xi32>
      %eq3A_629 = arith.cmpi eq, %iota3A_29, %eq3A_628 : vector<1x128xi32>
      %get3A_630 = arith.constant 0 : index
      %get3A_631 = arith.constant 0 : index
      %get3A_632 = vector.load %arg6[%get3A_630, %get3A_631] : memref<1x128xf32, #tpu.memory_space<vmem>>, vector<1x128xf32>
      %broadcast_in_dim3A_633 = vector.broadcast %reduce_max3A_614 : f32 to vector<1x128xf32>
      %select_n3A_634 = arith.select %eq3A_629, %broadcast_in_dim3A_633, %get3A_632 : vector<1x128xi1>, vector<1x128xf32>
      %swap3A_635 = arith.constant 0 : index
      %swap3A_636 = arith.constant 0 : index
      %swap3A_637 = vector.load %arg6[%swap3A_635, %swap3A_636] : memref<1x128xf32, #tpu.memory_space<vmem>>, vector<1x128xf32>
      tpu.vector_store %arg6[%swap3A_635, %swap3A_636], %select_n3A_634 {strides = array<i32>} : memref<1x128xf32, #tpu.memory_space<vmem>>, vector<1x128xf32>,
      %get3A_638 = arith.constant 0 : index
      %get3A_639 = arith.constant 0 : index
      %get3A_640 = vector.load %arg7[%get3A_638, %get3A_639] : memref<1x128xi32, #tpu.memory_space<vmem>>, vector<1x128xi32>
      %broadcast_in_dim3A_641 = vector.broadcast %reduce_min3A_627 : i32 to vector<1x128xi32>
      %select_n3A_642 = arith.select %eq3A_629, %broadcast_in_dim3A_641, %get3A_640 : vector<1x128xi1>, vector<1x128xi32>
      %swap3A_643 = arith.constant 0 : index
      %swap3A_644 = arith.constant 0 : index
      %swap3A_645 = vector.load %arg7[%swap3A_643, %swap3A_644] : memref<1x128xi32, #tpu.memory_space<vmem>>, vector<1x128xi32>
      tpu.vector_store %arg7[%swap3A_643, %swap3A_644], %select_n3A_642 {strides = array<i32>} : memref<1x128xi32, #tpu.memory_space<vmem>>, vector<1x128xi32>,
      %scan3A_646 = arith.constant 7 : i32
      %scan3A_647 = arith.addi %scan3A_66, %scan3A_646 : i32
      %get3A_648 = arith.index_cast %scan3A_647 : i32 to index
      %get3A_649 = arith.constant 0 : index
      %get3A_650 = memref.load %arg1[%get3A_648, %get3A_649] : memref<100x4xf32, #tpu.memory_space<smem>>
      %get3A_651 = arith.index_cast %scan3A_647 : i32 to index
      %get3A_652 = arith.constant 1 : index
      %get3A_653 = memref.load %arg1[%get3A_651, %get3A_652] : memref<100x4xf32, #tpu.memory_space<smem>>
      %get3A_654 = arith.index_cast %scan3A_647 : i32 to index
      %get3A_655 = arith.constant 2 : index
      %get3A_656 = memref.load %arg1[%get3A_654, %get3A_655] : memref<100x4xf32, #tpu.memory_space<smem>>
      %get3A_657 = arith.index_cast %scan3A_647 : i32 to index
      %get3A_658 = arith.constant 3 : index
      %get3A_659 = memref.load %arg1[%get3A_657, %get3A_658] : memref<100x4xf32, #tpu.memory_space<smem>>
      %sub3A_660 = arith.subf %get3A_656, %get3A_650 : f32
      %sub3A_661 = arith.subf %get3A_659, %get3A_653 : f32
      %mul3A_662 = arith.mulf %sub3A_660, %sub3A_661 : f32
      %get3A_663 = arith.constant 0 : index
      %get3A_664 = arith.constant 0 : index
      %get3A_665 = vector.load %arg4[%get3A_663, %get3A_664] : memref<160x128xf32, #tpu.memory_space<vmem>>, vector<160x128xf32>
      %max3A_666 = vector.broadcast %get3A_650 : f32 to vector<160x128xf32>
      %max3A_667 = arith.maximumf %get3A_3, %max3A_666 : vector<160x128xf32>
      %max3A_668 = vector.broadcast %get3A_653 : f32 to vector<160x128xf32>
      %max3A_669 = arith.maximumf %get3A_8, %max3A_668 : vector<160x128xf32>
      %min3A_670 = vector.broadcast %get3A_656 : f32 to vector<160x128xf32>
      %min3A_671 = arith.minimumf %get3A_13, %min3A_670 : vector<160x128xf32>
      %min3A_672 = vector.broadcast %get3A_659 : f32 to vector<160x128xf32>
      %min3A_673 = arith.minimumf %get3A_18, %min3A_672 : vector<160x128xf32>
      %sub3A_674 = arith.subf %min3A_671, %max3A_667 : vector<160x128xf32>
      %max3A_675 = arith.constant 0.000000e+00 : f32
      %max3A_676 = vector.broadcast %max3A_675 : f32 to vector<160x128xf32>
      %max3A_677 = arith.maximumf %sub3A_674, %max3A_676 : vector<160x128xf32>
      %sub3A_678 = arith.subf %min3A_673, %max3A_669 : vector<160x128xf32>
      %max3A_679 = arith.constant 0.000000e+00 : f32
      %max3A_680 = vector.broadcast %max3A_679 : f32 to vector<160x128xf32>
      %max3A_681 = arith.maximumf %sub3A_678, %max3A_680 : vector<160x128xf32>
      %mul3A_682 = arith.mulf %max3A_677, %max3A_681 : vector<160x128xf32>
      %add3A_683 = vector.broadcast %mul3A_662 : f32 to vector<160x128xf32>
      %add3A_684 = arith.addf %get3A_665, %add3A_683 : vector<160x128xf32>
      %sub3A_685 = arith.subf %add3A_684, %mul3A_682 : vector<160x128xf32>
      %max3A_686 = arith.constant 9.99999971E-10 : f32
      %max3A_687 = vector.broadcast %max3A_686 : f32 to vector<160x128xf32>
      %max3A_688 = arith.maximumf %sub3A_685, %max3A_687 : vector<160x128xf32>
      %div3A_689 = arith.divf %mul3A_682, %max3A_688 : vector<160x128xf32>
      %get3A_690 = arith.constant 0 : index
      %get3A_691 = arith.constant 0 : index
      %get3A_692 = vector.load %arg8[%get3A_690, %get3A_691] : memref<160x128xf32, #tpu.memory_space<vmem>>, vector<160x128xf32>
      %add3A_693 = arith.addf %div3A_689, %get3A_692 : vector<160x128xf32>
      %reduce_max3A_694 = vector.shape_cast %add3A_693 : vector<160x128xf32> to vector<1x160x128xf32>
      %reduce_max3A_695 = arith.constant dense<0xFF800000> : vector<1xf32>
      %reduce_max3A_696 = vector.multi_reduction <maximumf>, %reduce_max3A_694, %reduce_max3A_695 [1, 2] : vector<1x160x128xf32> to vector<1xf32>
      %reduce_max3A_697 = vector.shape_cast %reduce_max3A_696 : vector<1xf32> to vector<1x1x1xf32>
      %reduce_max3A_698 = vector.extract %reduce_max3A_697[0, 0, 0] : f32 from vector<1x1x1xf32>
      %eq3A_699 = vector.broadcast %reduce_max3A_698 : f32 to vector<160x128xf32>
      %eq3A_700 = arith.cmpf oeq, %add3A_693, %eq3A_699 : vector<160x128xf32>
      %get3A_701 = arith.constant 0 : index
      %get3A_702 = arith.constant 0 : index
      %get3A_703 = vector.load %arg5[%get3A_701, %get3A_702] : memref<160x128xi32, #tpu.memory_space<vmem>>, vector<160x128xi32>
      %jit3A_704 = arith.constant 1073741824 : i32
      %broadcast_in_dim3A_705 = vector.broadcast %jit3A_704 : i32 to vector<160x128xi32>
      %select_n3A_706 = arith.select %eq3A_700, %get3A_703, %broadcast_in_dim3A_705 : vector<160x128xi1>, vector<160x128xi32>
      %reduce_min3A_707 = vector.shape_cast %select_n3A_706 : vector<160x128xi32> to vector<1x160x128xi32>
      %reduce_min3A_708 = arith.constant dense<2147483647> : vector<1xi32>
      %reduce_min3A_709 = vector.multi_reduction <minsi>, %reduce_min3A_707, %reduce_min3A_708 [1, 2] : vector<1x160x128xi32> to vector<1xi32>
      %reduce_min3A_710 = vector.shape_cast %reduce_min3A_709 : vector<1xi32> to vector<1x1x1xi32>
      %reduce_min3A_711 = vector.extract %reduce_min3A_710[0, 0, 0] : i32 from vector<1x1x1xi32>
      %eq3A_712 = vector.broadcast %scan3A_647 : i32 to vector<1x128xi32>
      %eq3A_713 = arith.cmpi eq, %iota3A_29, %eq3A_712 : vector<1x128xi32>
      %get3A_714 = arith.constant 0 : index
      %get3A_715 = arith.constant 0 : index
      %get3A_716 = vector.load %arg6[%get3A_714, %get3A_715] : memref<1x128xf32, #tpu.memory_space<vmem>>, vector<1x128xf32>
      %broadcast_in_dim3A_717 = vector.broadcast %reduce_max3A_698 : f32 to vector<1x128xf32>
      %select_n3A_718 = arith.select %eq3A_713, %broadcast_in_dim3A_717, %get3A_716 : vector<1x128xi1>, vector<1x128xf32>
      %swap3A_719 = arith.constant 0 : index
      %swap3A_720 = arith.constant 0 : index
      %swap3A_721 = vector.load %arg6[%swap3A_719, %swap3A_720] : memref<1x128xf32, #tpu.memory_space<vmem>>, vector<1x128xf32>
      tpu.vector_store %arg6[%swap3A_719, %swap3A_720], %select_n3A_718 {strides = array<i32>} : memref<1x128xf32, #tpu.memory_space<vmem>>, vector<1x128xf32>,
      %get3A_722 = arith.constant 0 : index
      %get3A_723 = arith.constant 0 : index
      %get3A_724 = vector.load %arg7[%get3A_722, %get3A_723] : memref<1x128xi32, #tpu.memory_space<vmem>>, vector<1x128xi32>
      %broadcast_in_dim3A_725 = vector.broadcast %reduce_min3A_711 : i32 to vector<1x128xi32>
      %select_n3A_726 = arith.select %eq3A_713, %broadcast_in_dim3A_725, %get3A_724 : vector<1x128xi1>, vector<1x128xi32>
      %swap3A_727 = arith.constant 0 : index
      %swap3A_728 = arith.constant 0 : index
      %swap3A_729 = vector.load %arg7[%swap3A_727, %swap3A_728] : memref<1x128xi32, #tpu.memory_space<vmem>>, vector<1x128xi32>
      tpu.vector_store %arg7[%swap3A_727, %swap3A_728], %select_n3A_726 {strides = array<i32>} : memref<1x128xi32, #tpu.memory_space<vmem>>, vector<1x128xi32>,
      %scan3A_730 = arith.constant 8 : i32
      %scan3A_731 = arith.addi %scan3A_66, %scan3A_730 : i32
      %get3A_732 = arith.index_cast %scan3A_731 : i32 to index
      %get3A_733 = arith.constant 0 : index
      %get3A_734 = memref.load %arg1[%get3A_732, %get3A_733] : memref<100x4xf32, #tpu.memory_space<smem>>
      %get3A_735 = arith.index_cast %scan3A_731 : i32 to index
      %get3A_736 = arith.constant 1 : index
      %get3A_737 = memref.load %arg1[%get3A_735, %get3A_736] : memref<100x4xf32, #tpu.memory_space<smem>>
      %get3A_738 = arith.index_cast %scan3A_731 : i32 to index
      %get3A_739 = arith.constant 2 : index
      %get3A_740 = memref.load %arg1[%get3A_738, %get3A_739] : memref<100x4xf32, #tpu.memory_space<smem>>
      %get3A_741 = arith.index_cast %scan3A_731 : i32 to index
      %get3A_742 = arith.constant 3 : index
      %get3A_743 = memref.load %arg1[%get3A_741, %get3A_742] : memref<100x4xf32, #tpu.memory_space<smem>>
      %sub3A_744 = arith.subf %get3A_740, %get3A_734 : f32
      %sub3A_745 = arith.subf %get3A_743, %get3A_737 : f32
      %mul3A_746 = arith.mulf %sub3A_744, %sub3A_745 : f32
      %get3A_747 = arith.constant 0 : index
      %get3A_748 = arith.constant 0 : index
      %get3A_749 = vector.load %arg4[%get3A_747, %get3A_748] : memref<160x128xf32, #tpu.memory_space<vmem>>, vector<160x128xf32>
      %max3A_750 = vector.broadcast %get3A_734 : f32 to vector<160x128xf32>
      %max3A_751 = arith.maximumf %get3A_3, %max3A_750 : vector<160x128xf32>
      %max3A_752 = vector.broadcast %get3A_737 : f32 to vector<160x128xf32>
      %max3A_753 = arith.maximumf %get3A_8, %max3A_752 : vector<160x128xf32>
      %min3A_754 = vector.broadcast %get3A_740 : f32 to vector<160x128xf32>
      %min3A_755 = arith.minimumf %get3A_13, %min3A_754 : vector<160x128xf32>
      %min3A_756 = vector.broadcast %get3A_743 : f32 to vector<160x128xf32>
      %min3A_757 = arith.minimumf %get3A_18, %min3A_756 : vector<160x128xf32>
      %sub3A_758 = arith.subf %min3A_755, %max3A_751 : vector<160x128xf32>
      %max3A_759 = arith.constant 0.000000e+00 : f32
      %max3A_760 = vector.broadcast %max3A_759 : f32 to vector<160x128xf32>
      %max3A_761 = arith.maximumf %sub3A_758, %max3A_760 : vector<160x128xf32>
      %sub3A_762 = arith.subf %min3A_757, %max3A_753 : vector<160x128xf32>
      %max3A_763 = arith.constant 0.000000e+00 : f32
      %max3A_764 = vector.broadcast %max3A_763 : f32 to vector<160x128xf32>
      %max3A_765 = arith.maximumf %sub3A_762, %max3A_764 : vector<160x128xf32>
      %mul3A_766 = arith.mulf %max3A_761, %max3A_765 : vector<160x128xf32>
      %add3A_767 = vector.broadcast %mul3A_746 : f32 to vector<160x128xf32>
      %add3A_768 = arith.addf %get3A_749, %add3A_767 : vector<160x128xf32>
      %sub3A_769 = arith.subf %add3A_768, %mul3A_766 : vector<160x128xf32>
      %max3A_770 = arith.constant 9.99999971E-10 : f32
      %max3A_771 = vector.broadcast %max3A_770 : f32 to vector<160x128xf32>
      %max3A_772 = arith.maximumf %sub3A_769, %max3A_771 : vector<160x128xf32>
      %div3A_773 = arith.divf %mul3A_766, %max3A_772 : vector<160x128xf32>
      %get3A_774 = arith.constant 0 : index
      %get3A_775 = arith.constant 0 : index
      %get3A_776 = vector.load %arg8[%get3A_774, %get3A_775] : memref<160x128xf32, #tpu.memory_space<vmem>>, vector<160x128xf32>
      %add3A_777 = arith.addf %div3A_773, %get3A_776 : vector<160x128xf32>
      %reduce_max3A_778 = vector.shape_cast %add3A_777 : vector<160x128xf32> to vector<1x160x128xf32>
      %reduce_max3A_779 = arith.constant dense<0xFF800000> : vector<1xf32>
      %reduce_max3A_780 = vector.multi_reduction <maximumf>, %reduce_max3A_778, %reduce_max3A_779 [1, 2] : vector<1x160x128xf32> to vector<1xf32>
      %reduce_max3A_781 = vector.shape_cast %reduce_max3A_780 : vector<1xf32> to vector<1x1x1xf32>
      %reduce_max3A_782 = vector.extract %reduce_max3A_781[0, 0, 0] : f32 from vector<1x1x1xf32>
      %eq3A_783 = vector.broadcast %reduce_max3A_782 : f32 to vector<160x128xf32>
      %eq3A_784 = arith.cmpf oeq, %add3A_777, %eq3A_783 : vector<160x128xf32>
      %get3A_785 = arith.constant 0 : index
      %get3A_786 = arith.constant 0 : index
      %get3A_787 = vector.load %arg5[%get3A_785, %get3A_786] : memref<160x128xi32, #tpu.memory_space<vmem>>, vector<160x128xi32>
      %jit3A_788 = arith.constant 1073741824 : i32
      %broadcast_in_dim3A_789 = vector.broadcast %jit3A_788 : i32 to vector<160x128xi32>
      %select_n3A_790 = arith.select %eq3A_784, %get3A_787, %broadcast_in_dim3A_789 : vector<160x128xi1>, vector<160x128xi32>
      %reduce_min3A_791 = vector.shape_cast %select_n3A_790 : vector<160x128xi32> to vector<1x160x128xi32>
      %reduce_min3A_792 = arith.constant dense<2147483647> : vector<1xi32>
      %reduce_min3A_793 = vector.multi_reduction <minsi>, %reduce_min3A_791, %reduce_min3A_792 [1, 2] : vector<1x160x128xi32> to vector<1xi32>
      %reduce_min3A_794 = vector.shape_cast %reduce_min3A_793 : vector<1xi32> to vector<1x1x1xi32>
      %reduce_min3A_795 = vector.extract %reduce_min3A_794[0, 0, 0] : i32 from vector<1x1x1xi32>
      %eq3A_796 = vector.broadcast %scan3A_731 : i32 to vector<1x128xi32>
      %eq3A_797 = arith.cmpi eq, %iota3A_29, %eq3A_796 : vector<1x128xi32>
      %get3A_798 = arith.constant 0 : index
      %get3A_799 = arith.constant 0 : index
      %get3A_800 = vector.load %arg6[%get3A_798, %get3A_799] : memref<1x128xf32, #tpu.memory_space<vmem>>, vector<1x128xf32>
      %broadcast_in_dim3A_801 = vector.broadcast %reduce_max3A_782 : f32 to vector<1x128xf32>
      %select_n3A_802 = arith.select %eq3A_797, %broadcast_in_dim3A_801, %get3A_800 : vector<1x128xi1>, vector<1x128xf32>
      %swap3A_803 = arith.constant 0 : index
      %swap3A_804 = arith.constant 0 : index
      %swap3A_805 = vector.load %arg6[%swap3A_803, %swap3A_804] : memref<1x128xf32, #tpu.memory_space<vmem>>, vector<1x128xf32>
      tpu.vector_store %arg6[%swap3A_803, %swap3A_804], %select_n3A_802 {strides = array<i32>} : memref<1x128xf32, #tpu.memory_space<vmem>>, vector<1x128xf32>,
      %get3A_806 = arith.constant 0 : index
      %get3A_807 = arith.constant 0 : index
      %get3A_808 = vector.load %arg7[%get3A_806, %get3A_807] : memref<1x128xi32, #tpu.memory_space<vmem>>, vector<1x128xi32>
      %broadcast_in_dim3A_809 = vector.broadcast %reduce_min3A_795 : i32 to vector<1x128xi32>
      %select_n3A_810 = arith.select %eq3A_797, %broadcast_in_dim3A_809, %get3A_808 : vector<1x128xi1>, vector<1x128xi32>
      %swap3A_811 = arith.constant 0 : index
      %swap3A_812 = arith.constant 0 : index
      %swap3A_813 = vector.load %arg7[%swap3A_811, %swap3A_812] : memref<1x128xi32, #tpu.memory_space<vmem>>, vector<1x128xi32>
      tpu.vector_store %arg7[%swap3A_811, %swap3A_812], %select_n3A_810 {strides = array<i32>} : memref<1x128xi32, #tpu.memory_space<vmem>>, vector<1x128xi32>,
      %scan3A_814 = arith.constant 9 : i32
      %scan3A_815 = arith.addi %scan3A_66, %scan3A_814 : i32
      %get3A_816 = arith.index_cast %scan3A_815 : i32 to index
      %get3A_817 = arith.constant 0 : index
      %get3A_818 = memref.load %arg1[%get3A_816, %get3A_817] : memref<100x4xf32, #tpu.memory_space<smem>>
      %get3A_819 = arith.index_cast %scan3A_815 : i32 to index
      %get3A_820 = arith.constant 1 : index
      %get3A_821 = memref.load %arg1[%get3A_819, %get3A_820] : memref<100x4xf32, #tpu.memory_space<smem>>
      %get3A_822 = arith.index_cast %scan3A_815 : i32 to index
      %get3A_823 = arith.constant 2 : index
      %get3A_824 = memref.load %arg1[%get3A_822, %get3A_823] : memref<100x4xf32, #tpu.memory_space<smem>>
      %get3A_825 = arith.index_cast %scan3A_815 : i32 to index
      %get3A_826 = arith.constant 3 : index
      %get3A_827 = memref.load %arg1[%get3A_825, %get3A_826] : memref<100x4xf32, #tpu.memory_space<smem>>
      %sub3A_828 = arith.subf %get3A_824, %get3A_818 : f32
      %sub3A_829 = arith.subf %get3A_827, %get3A_821 : f32
      %mul3A_830 = arith.mulf %sub3A_828, %sub3A_829 : f32
      %get3A_831 = arith.constant 0 : index
      %get3A_832 = arith.constant 0 : index
      %get3A_833 = vector.load %arg4[%get3A_831, %get3A_832] : memref<160x128xf32, #tpu.memory_space<vmem>>, vector<160x128xf32>
      %max3A_834 = vector.broadcast %get3A_818 : f32 to vector<160x128xf32>
      %max3A_835 = arith.maximumf %get3A_3, %max3A_834 : vector<160x128xf32>
      %max3A_836 = vector.broadcast %get3A_821 : f32 to vector<160x128xf32>
      %max3A_837 = arith.maximumf %get3A_8, %max3A_836 : vector<160x128xf32>
      %min3A_838 = vector.broadcast %get3A_824 : f32 to vector<160x128xf32>
      %min3A_839 = arith.minimumf %get3A_13, %min3A_838 : vector<160x128xf32>
      %min3A_840 = vector.broadcast %get3A_827 : f32 to vector<160x128xf32>
      %min3A_841 = arith.minimumf %get3A_18, %min3A_840 : vector<160x128xf32>
      %sub3A_842 = arith.subf %min3A_839, %max3A_835 : vector<160x128xf32>
      %max3A_843 = arith.constant 0.000000e+00 : f32
      %max3A_844 = vector.broadcast %max3A_843 : f32 to vector<160x128xf32>
      %max3A_845 = arith.maximumf %sub3A_842, %max3A_844 : vector<160x128xf32>
      %sub3A_846 = arith.subf %min3A_841, %max3A_837 : vector<160x128xf32>
      %max3A_847 = arith.constant 0.000000e+00 : f32
      %max3A_848 = vector.broadcast %max3A_847 : f32 to vector<160x128xf32>
      %max3A_849 = arith.maximumf %sub3A_846, %max3A_848 : vector<160x128xf32>
      %mul3A_850 = arith.mulf %max3A_845, %max3A_849 : vector<160x128xf32>
      %add3A_851 = vector.broadcast %mul3A_830 : f32 to vector<160x128xf32>
      %add3A_852 = arith.addf %get3A_833, %add3A_851 : vector<160x128xf32>
      %sub3A_853 = arith.subf %add3A_852, %mul3A_850 : vector<160x128xf32>
      %max3A_854 = arith.constant 9.99999971E-10 : f32
      %max3A_855 = vector.broadcast %max3A_854 : f32 to vector<160x128xf32>
      %max3A_856 = arith.maximumf %sub3A_853, %max3A_855 : vector<160x128xf32>
      %div3A_857 = arith.divf %mul3A_850, %max3A_856 : vector<160x128xf32>
      %get3A_858 = arith.constant 0 : index
      %get3A_859 = arith.constant 0 : index
      %get3A_860 = vector.load %arg8[%get3A_858, %get3A_859] : memref<160x128xf32, #tpu.memory_space<vmem>>, vector<160x128xf32>
      %add3A_861 = arith.addf %div3A_857, %get3A_860 : vector<160x128xf32>
      %reduce_max3A_862 = vector.shape_cast %add3A_861 : vector<160x128xf32> to vector<1x160x128xf32>
      %reduce_max3A_863 = arith.constant dense<0xFF800000> : vector<1xf32>
      %reduce_max3A_864 = vector.multi_reduction <maximumf>, %reduce_max3A_862, %reduce_max3A_863 [1, 2] : vector<1x160x128xf32> to vector<1xf32>
      %reduce_max3A_865 = vector.shape_cast %reduce_max3A_864 : vector<1xf32> to vector<1x1x1xf32>
      %reduce_max3A_866 = vector.extract %reduce_max3A_865[0, 0, 0] : f32 from vector<1x1x1xf32>
      %eq3A_867 = vector.broadcast %reduce_max3A_866 : f32 to vector<160x128xf32>
      %eq3A_868 = arith.cmpf oeq, %add3A_861, %eq3A_867 : vector<160x128xf32>
      %get3A_869 = arith.constant 0 : index
      %get3A_870 = arith.constant 0 : index
      %get3A_871 = vector.load %arg5[%get3A_869, %get3A_870] : memref<160x128xi32, #tpu.memory_space<vmem>>, vector<160x128xi32>
      %jit3A_872 = arith.constant 1073741824 : i32
      %broadcast_in_dim3A_873 = vector.broadcast %jit3A_872 : i32 to vector<160x128xi32>
      %select_n3A_874 = arith.select %eq3A_868, %get3A_871, %broadcast_in_dim3A_873 : vector<160x128xi1>, vector<160x128xi32>
      %reduce_min3A_875 = vector.shape_cast %select_n3A_874 : vector<160x128xi32> to vector<1x160x128xi32>
      %reduce_min3A_876 = arith.constant dense<2147483647> : vector<1xi32>
      %reduce_min3A_877 = vector.multi_reduction <minsi>, %reduce_min3A_875, %reduce_min3A_876 [1, 2] : vector<1x160x128xi32> to vector<1xi32>
      %reduce_min3A_878 = vector.shape_cast %reduce_min3A_877 : vector<1xi32> to vector<1x1x1xi32>
      %reduce_min3A_879 = vector.extract %reduce_min3A_878[0, 0, 0] : i32 from vector<1x1x1xi32>
      %eq3A_880 = vector.broadcast %scan3A_815 : i32 to vector<1x128xi32>
      %eq3A_881 = arith.cmpi eq, %iota3A_29, %eq3A_880 : vector<1x128xi32>
      %get3A_882 = arith.constant 0 : index
      %get3A_883 = arith.constant 0 : index
      %get3A_884 = vector.load %arg6[%get3A_882, %get3A_883] : memref<1x128xf32, #tpu.memory_space<vmem>>, vector<1x128xf32>
      %broadcast_in_dim3A_885 = vector.broadcast %reduce_max3A_866 : f32 to vector<1x128xf32>
      %select_n3A_886 = arith.select %eq3A_881, %broadcast_in_dim3A_885, %get3A_884 : vector<1x128xi1>, vector<1x128xf32>
      %swap3A_887 = arith.constant 0 : index
      %swap3A_888 = arith.constant 0 : index
      %swap3A_889 = vector.load %arg6[%swap3A_887, %swap3A_888] : memref<1x128xf32, #tpu.memory_space<vmem>>, vector<1x128xf32>
      tpu.vector_store %arg6[%swap3A_887, %swap3A_888], %select_n3A_886 {strides = array<i32>} : memref<1x128xf32, #tpu.memory_space<vmem>>, vector<1x128xf32>,
      %get3A_890 = arith.constant 0 : index
      %get3A_891 = arith.constant 0 : index
      %get3A_892 = vector.load %arg7[%get3A_890, %get3A_891] : memref<1x128xi32, #tpu.memory_space<vmem>>, vector<1x128xi32>
      %broadcast_in_dim3A_893 = vector.broadcast %reduce_min3A_879 : i32 to vector<1x128xi32>
      %select_n3A_894 = arith.select %eq3A_881, %broadcast_in_dim3A_893, %get3A_892 : vector<1x128xi1>, vector<1x128xi32>
      %swap3A_895 = arith.constant 0 : index
      %swap3A_896 = arith.constant 0 : index
      %swap3A_897 = vector.load %arg7[%swap3A_895, %swap3A_896] : memref<1x128xi32, #tpu.memory_space<vmem>>, vector<1x128xi32>
      tpu.vector_store %arg7[%swap3A_895, %swap3A_896], %select_n3A_894 {strides = array<i32>} : memref<1x128xi32, #tpu.memory_space<vmem>>, vector<1x128xi32>,
    }
    %scan3A_57 = arith.constant 100 : i32
    %get3A_58 = arith.constant 0 : index
    %get3A_59 = arith.constant 0 : index
    %get3A_60 = vector.load %arg6[%get3A_58, %get3A_59] : memref<1x128xf32, #tpu.memory_space<vmem>>, vector<1x128xf32>
    %reduce_max3A = vector.shape_cast %get3A_60 : vector<1x128xf32> to vector<1x1x128xf32>
    %reduce_max3A_61 = arith.constant dense<0xFF800000> : vector<1xf32>
    %reduce_max3A_62 = vector.multi_reduction <maximumf>, %reduce_max3A, %reduce_max3A_61 [1, 2] : vector<1x1x128xf32> to vector<1xf32>
    %reduce_max3A_63 = vector.shape_cast %reduce_max3A_62 : vector<1xf32> to vector<1x1x1xf32>
    %reduce_max3A_64 = vector.extract %reduce_max3A_63[0, 0, 0] : f32 from vector<1x1x1xf32>
    %ge3A = arith.constant 5.000000e-01 : f32
    %ge3A_65 = arith.cmpf oge, %reduce_max3A_64, %ge3A : f32
    %while3A = scf.while (%while3A_66 = %ge3A_65) : (i1) -> i1 {
      scf.condition(%while3A_66) %while3A_66 : i1
    } do {
    ^bb0(%while3A_66: i1):
      %get3A_67 = arith.constant 0 : index
      %get3A_68 = arith.constant 0 : index
      %get3A_69 = vector.load %arg6[%get3A_67, %get3A_68] : memref<1x128xf32, #tpu.memory_space<vmem>>, vector<1x128xf32>
      %get3A_70 = arith.constant 0 : index
      %get3A_71 = arith.constant 0 : index
      %get3A_72 = vector.load %arg7[%get3A_70, %get3A_71] : memref<1x128xi32, #tpu.memory_space<vmem>>, vector<1x128xi32>
      %ge3A_73 = arith.constant 5.000000e-01 : f32
      %ge3A_74 = vector.broadcast %ge3A_73 : f32 to vector<1x128xf32>
      %ge3A_75 = arith.cmpf oge, %get3A_69, %ge3A_74 : vector<1x128xf32>
      %jit3A = arith.constant 1.000000e+00 : f32
      %jit3A_76 = arith.constant 0.000000e+00 : f32
      %broadcast_in_dim3A_77 = vector.broadcast %jit3A : f32 to vector<1x128xf32>
      %broadcast_in_dim3A_78 = vector.broadcast %jit3A_76 : f32 to vector<1x128xf32>
      %select_n3A = arith.select %ge3A_75, %broadcast_in_dim3A_77, %broadcast_in_dim3A_78 : vector<1x128xi1>, vector<1x128xf32>
      %ge3A_79 = arith.constant 5.000000e-01 : f32
      %ge3A_80 = vector.broadcast %ge3A_79 : f32 to vector<1x128xf32>
      %ge3A_81 = arith.cmpf oge, %get3A_69, %ge3A_80 : vector<1x128xf32>
      %jit3A_82 = arith.constant 0xFF800000 : f32
      %broadcast_in_dim3A_83 = vector.broadcast %jit3A_82 : f32 to vector<1x128xf32>
      %select_n3A_84 = arith.select %ge3A_81, %get3A_69, %broadcast_in_dim3A_83 : vector<1x128xi1>, vector<1x128xf32>
      %broadcast_in_dim3A_85 = vector.shape_cast %get3A_72 : vector<1x128xi32> to vector<1x128xi32>
      %broadcast_in_dim3A_86 = vector.broadcast %broadcast_in_dim3A_85 : vector<1x128xi32> to vector<128x128xi32>
      %broadcast_in_dim3A_87 = vector.shape_cast %select_n3A_84 : vector<1x128xf32> to vector<1x128xf32>
      %broadcast_in_dim3A_88 = vector.broadcast %broadcast_in_dim3A_87 : vector<1x128xf32> to vector<128x128xf32>
      %broadcast_in_dim3A_89 = vector.shape_cast %select_n3A : vector<1x128xf32> to vector<1x128xf32>
      %broadcast_in_dim3A_90 = vector.broadcast %broadcast_in_dim3A_89 : vector<1x128xf32> to vector<128x128xf32>
      %transpose3A = tpu.transpose %broadcast_in_dim3A_86, [1, 0] : vector<128x128xi32> -> vector<128x128xi32>
      %transpose3A_91 = tpu.transpose %broadcast_in_dim3A_88, [1, 0] : vector<128x128xf32> -> vector<128x128xf32>
      %transpose3A_92 = tpu.transpose %broadcast_in_dim3A_90, [1, 0] : vector<128x128xf32> -> vector<128x128xf32>
      %eq3A = arith.cmpi eq, %broadcast_in_dim3A_86, %transpose3A : vector<128x128xi32>
      %gt3A = arith.constant 5.000000e-01 : f32
      %gt3A_93 = vector.broadcast %gt3A : f32 to vector<128x128xf32>
      %gt3A_94 = arith.cmpf ogt, %broadcast_in_dim3A_90, %gt3A_93 : vector<128x128xf32>
      %gt3A_95 = arith.constant 5.000000e-01 : f32
      %gt3A_96 = vector.broadcast %gt3A_95 : f32 to vector<128x128xf32>
      %gt3A_97 = arith.cmpf ogt, %transpose3A_92, %gt3A_96 : vector<128x128xf32>
      %and3A = arith.andi %gt3A_94, %gt3A_97 : vector<128x128xi1>
      %and3A_98 = arith.andi %eq3A, %and3A : vector<128x128xi1>
      %jit3A_99 = arith.constant 0xFF800000 : f32
      %broadcast_in_dim3A_100 = vector.broadcast %jit3A_99 : f32 to vector<128x128xf32>
      %select_n3A_101 = arith.select %and3A_98, %broadcast_in_dim3A_88, %broadcast_in_dim3A_100 : vector<128x128xi1>, vector<128x128xf32>
      %reduce_max3A_102 = arith.constant dense<0xFF800000> : vector<128xf32>
      %reduce_max3A_103 = vector.multi_reduction <maximumf>, %select_n3A_101, %reduce_max3A_102 [1] : vector<128x128xf32> to vector<128xf32>
      %broadcast_in_dim3A_104 = vector.shape_cast %reduce_max3A_103 : vector<128xf32> to vector<128x1xf32>
      %iota3A_105 = tpu.iota {dimensions = array<i32: 1>} : vector<128x128xi32>
      %eq3A_106 = vector.broadcast %broadcast_in_dim3A_104 : vector<128x1xf32> to vector<128x128xf32>
      %eq3A_107 = arith.cmpf oeq, %select_n3A_101, %eq3A_106 : vector<128x128xf32>
      %jit3A_108 = arith.constant 1073741824 : i32
      %broadcast_in_dim3A_109 = vector.broadcast %jit3A_108 : i32 to vector<128x128xi32>
      %select_n3A_110 = arith.select %eq3A_107, %iota3A_105, %broadcast_in_dim3A_109 : vector<128x128xi1>, vector<128x128xi32>
      %reduce_min3A = arith.constant dense<2147483647> : vector<128xi32>
      %reduce_min3A_111 = vector.multi_reduction <minsi>, %select_n3A_110, %reduce_min3A [1] : vector<128x128xi32> to vector<128xi32>
      %broadcast_in_dim3A_112 = vector.shape_cast %reduce_min3A_111 : vector<128xi32> to vector<128x1xi32>
      %iota3A_113 = tpu.iota {dimensions = array<i32: 0>} : vector<128x1xi32>
      %slice3A = vector.extract_strided_slice %transpose3A_92 {offsets = [0, 0], sizes = [128, 1], strides = [1, 1]} : vector<128x128xf32> to vector<128x1xf32>
      %gt3A_114 = arith.constant 5.000000e-01 : f32
      %gt3A_115 = vector.broadcast %gt3A_114 : f32 to vector<128x1xf32>
      %gt3A_116 = arith.cmpf ogt, %slice3A, %gt3A_115 : vector<128x1xf32>
      %slice3A_117 = vector.extract_strided_slice %transpose3A_91 {offsets = [0, 0], sizes = [128, 1], strides = [1, 1]} : vector<128x128xf32> to vector<128x1xf32>
      %eq3A_118 = arith.cmpi eq, %broadcast_in_dim3A_112, %iota3A_113 : vector<128x1xi32>
      %and3A_119 = arith.andi %eq3A_118, %gt3A_116 : vector<128x1xi1>
      %not3A = arith.constant dense<true> : vector<128x1xi1>
      %not3A_120 = arith.xori %and3A_119, %not3A : vector<128x1xi1>
      %and3A_121 = arith.andi %gt3A_116, %not3A_120 : vector<128x1xi1>
      %jit3A_122 = arith.constant 0xFF800000 : f32
      %broadcast_in_dim3A_123 = vector.broadcast %jit3A_122 : f32 to vector<128x1xf32>
      %select_n3A_124 = arith.select %and3A_121, %slice3A_117, %broadcast_in_dim3A_123 : vector<128x1xi1>, vector<128x1xf32>
      %reduce_max3A_125 = vector.shape_cast %select_n3A_124 : vector<128x1xf32> to vector<1x128x1xf32>
      %reduce_max3A_126 = arith.constant dense<0xFF800000> : vector<1xf32>
      %reduce_max3A_127 = vector.multi_reduction <maximumf>, %reduce_max3A_125, %reduce_max3A_126 [1, 2] : vector<1x128x1xf32> to vector<1xf32>
      %reduce_max3A_128 = vector.shape_cast %reduce_max3A_127 : vector<1xf32> to vector<1x1x1xf32>
      %reduce_max3A_129 = vector.extract %reduce_max3A_128[0, 0, 0] : f32 from vector<1x1x1xf32>
      %reduce_max3A_130 = vector.shape_cast %select_n3A_84 : vector<1x128xf32> to vector<1x1x128xf32>
      %reduce_max3A_131 = arith.constant dense<0xFF800000> : vector<1xf32>
      %reduce_max3A_132 = vector.multi_reduction <maximumf>, %reduce_max3A_130, %reduce_max3A_131 [1, 2] : vector<1x1x128xf32> to vector<1xf32>
      %reduce_max3A_133 = vector.shape_cast %reduce_max3A_132 : vector<1xf32> to vector<1x1x1xf32>
      %reduce_max3A_134 = vector.extract %reduce_max3A_133[0, 0, 0] : f32 from vector<1x1x1xf32>
      %gt3A_135 = vector.broadcast %reduce_max3A_129 : f32 to vector<128x1xf32>
      %gt3A_136 = arith.cmpf ogt, %slice3A_117, %gt3A_135 : vector<128x1xf32>
      %eq3A_137 = vector.broadcast %reduce_max3A_134 : f32 to vector<128x1xf32>
      %eq3A_138 = arith.cmpf oeq, %slice3A_117, %eq3A_137 : vector<128x1xf32>
      %or3A = arith.ori %gt3A_136, %eq3A_138 : vector<128x1xi1>
      %and3A_139 = arith.andi %and3A_119, %or3A : vector<128x1xi1>
      %jit3A_140 = arith.constant 1.000000e+00 : f32
      %jit3A_141 = arith.constant 0.000000e+00 : f32
      %broadcast_in_dim3A_142 = vector.broadcast %jit3A_140 : f32 to vector<128x1xf32>
      %broadcast_in_dim3A_143 = vector.broadcast %jit3A_141 : f32 to vector<128x1xf32>
      %select_n3A_144 = arith.select %and3A_139, %broadcast_in_dim3A_142, %broadcast_in_dim3A_143 : vector<128x1xi1>, vector<128x1xf32>
      %broadcast_in_dim3A_145 = vector.shape_cast %select_n3A_144 : vector<128x1xf32> to vector<128x1xf32>
      %broadcast_in_dim3A_146 = vector.broadcast %broadcast_in_dim3A_145 : vector<128x1xf32> to vector<128x128xf32>
      %transpose3A_147 = tpu.transpose %broadcast_in_dim3A_146, [1, 0] : vector<128x128xf32> -> vector<128x128xf32>
      %slice3A_148 = vector.extract_strided_slice %transpose3A_147 {offsets = [0, 0], sizes = [1, 128], strides = [1, 1]} : vector<128x128xf32> to vector<1x128xf32>
      %gt3A_149 = arith.constant 5.000000e-01 : f32
      %gt3A_150 = vector.broadcast %gt3A_149 : f32 to vector<1x128xf32>
      %gt3A_151 = arith.cmpf ogt, %slice3A_148, %gt3A_150 : vector<1x128xf32>
      %get3A_152 = arith.constant 0 : index
      %get3A_153 = arith.constant 0 : index
      %get3A_154 = vector.load %arg2[%get3A_152, %get3A_153] : memref<2x128xi32, #tpu.memory_space<vmem>>, vector<1x128xi32>
      %select_n3A_155 = arith.select %gt3A_151, %get3A_72, %get3A_154 : vector<1x128xi1>, vector<1x128xi32>
      %swap3A_156 = arith.constant 0 : index
      %swap3A_157 = arith.constant 0 : index
      %swap3A_158 = vector.load %arg2[%swap3A_156, %swap3A_157] : memref<2x128xi32, #tpu.memory_space<vmem>>, vector<1x128xi32>
      tpu.vector_store %arg2[%swap3A_156, %swap3A_157], %select_n3A_155 {strides = array<i32>} : memref<2x128xi32, #tpu.memory_space<vmem>>, vector<1x128xi32>,
      %get3A_159 = arith.constant 0 : index
      %get3A_160 = arith.constant 0 : index
      %get3A_161 = vector.load %arg3[%get3A_159, %get3A_160] : memref<2x128xf32, #tpu.memory_space<vmem>>, vector<1x128xf32>
      %jit3A_162 = arith.constant 1.000000e+00 : f32
      %broadcast_in_dim3A_163 = vector.broadcast %jit3A_162 : f32 to vector<1x128xf32>
      %select_n3A_164 = arith.select %gt3A_151, %broadcast_in_dim3A_163, %get3A_161 : vector<1x128xi1>, vector<1x128xf32>
      %swap3A_165 = arith.constant 0 : index
      %swap3A_166 = arith.constant 0 : index
      %swap3A_167 = vector.load %arg3[%swap3A_165, %swap3A_166] : memref<2x128xf32, #tpu.memory_space<vmem>>, vector<1x128xf32>
      tpu.vector_store %arg3[%swap3A_165, %swap3A_166], %select_n3A_164 {strides = array<i32>} : memref<2x128xf32, #tpu.memory_space<vmem>>, vector<1x128xf32>,
      %jit3A_168 = arith.constant 0xFF800000 : f32
      %broadcast_in_dim3A_169 = vector.broadcast %jit3A_168 : f32 to vector<1x128xf32>
      %select_n3A_170 = arith.select %gt3A_151, %broadcast_in_dim3A_169, %get3A_69 : vector<1x128xi1>, vector<1x128xf32>
      %swap3A_171 = arith.constant 0 : index
      %swap3A_172 = arith.constant 0 : index
      %swap3A_173 = vector.load %arg6[%swap3A_171, %swap3A_172] : memref<1x128xf32, #tpu.memory_space<vmem>>, vector<1x128xf32>
      tpu.vector_store %arg6[%swap3A_171, %swap3A_172], %select_n3A_170 {strides = array<i32>} : memref<1x128xf32, #tpu.memory_space<vmem>>, vector<1x128xf32>,
      %broadcast_in_dim3A_174 = vector.shape_cast %slice3A_148 : vector<1x128xf32> to vector<1x128xf32>
      %broadcast_in_dim3A_175 = vector.broadcast %broadcast_in_dim3A_174 : vector<1x128xf32> to vector<128x128xf32>
      %gt3A_176 = arith.constant 5.000000e-01 : f32
      %gt3A_177 = vector.broadcast %gt3A_176 : f32 to vector<128x128xf32>
      %gt3A_178 = arith.cmpf ogt, %broadcast_in_dim3A_175, %gt3A_177 : vector<128x128xf32>
      %and3A_179 = arith.andi %and3A_98, %gt3A_178 : vector<128x128xi1>
      %jit3A_180 = arith.constant 1.000000e+00 : f32
      %jit3A_181 = arith.constant 0.000000e+00 : f32
      %broadcast_in_dim3A_182 = vector.broadcast %jit3A_180 : f32 to vector<128x128xf32>
      %broadcast_in_dim3A_183 = vector.broadcast %jit3A_181 : f32 to vector<128x128xf32>
      %select_n3A_184 = arith.select %and3A_179, %broadcast_in_dim3A_182, %broadcast_in_dim3A_183 : vector<128x128xi1>, vector<128x128xf32>
      %reduce_max3A_185 = arith.constant dense<0xFF800000> : vector<128xf32>
      %reduce_max3A_186 = vector.multi_reduction <maximumf>, %select_n3A_184, %reduce_max3A_185 [1] : vector<128x128xf32> to vector<128xf32>
      %broadcast_in_dim3A_187 = vector.shape_cast %reduce_max3A_186 : vector<128xf32> to vector<128x1xf32>
      %gt3A_188 = arith.constant 5.000000e-01 : f32
      %gt3A_189 = vector.broadcast %gt3A_188 : f32 to vector<128x1xf32>
      %gt3A_190 = arith.cmpf ogt, %broadcast_in_dim3A_187, %gt3A_189 : vector<128x1xf32>
      %and3A_191 = arith.andi %and3A_121, %gt3A_190 : vector<128x1xi1>
      %jit3A_192 = arith.constant 1.000000e+00 : f32
      %jit3A_193 = arith.constant 0.000000e+00 : f32
      %broadcast_in_dim3A_194 = vector.broadcast %jit3A_192 : f32 to vector<128x1xf32>
      %broadcast_in_dim3A_195 = vector.broadcast %jit3A_193 : f32 to vector<128x1xf32>
      %select_n3A_196 = arith.select %and3A_191, %broadcast_in_dim3A_194, %broadcast_in_dim3A_195 : vector<128x1xi1>, vector<128x1xf32>
      %broadcast_in_dim3A_197 = vector.shape_cast %select_n3A_196 : vector<128x1xf32> to vector<128x1xf32>
      %broadcast_in_dim3A_198 = vector.broadcast %broadcast_in_dim3A_197 : vector<128x1xf32> to vector<128x128xf32>
      %transpose3A_199 = tpu.transpose %broadcast_in_dim3A_198, [1, 0] : vector<128x128xf32> -> vector<128x128xf32>
      %slice3A_200 = vector.extract_strided_slice %transpose3A_199 {offsets = [0, 0], sizes = [1, 128], strides = [1, 1]} : vector<128x128xf32> to vector<1x128xf32>
      %while3A_201 = scf.while (%while3A_212 = %slice3A_200) : (vector<1x128xf32>) -> vector<1x128xf32> {
        %reduce_max3A_213 = vector.shape_cast %while3A_212 : vector<1x128xf32> to vector<1x1x128xf32>
        %reduce_max3A_214 = arith.constant dense<0xFF800000> : vector<1xf32>
        %reduce_max3A_215 = vector.multi_reduction <maximumf>, %reduce_max3A_213, %reduce_max3A_214 [1, 2] : vector<1x1x128xf32> to vector<1xf32>
        %reduce_max3A_216 = vector.shape_cast %reduce_max3A_215 : vector<1xf32> to vector<1x1x1xf32>
        %reduce_max3A_217 = vector.extract %reduce_max3A_216[0, 0, 0] : f32 from vector<1x1x1xf32>
        %gt3A_218 = arith.constant 5.000000e-01 : f32
        %gt3A_219 = arith.cmpf ogt, %reduce_max3A_217, %gt3A_218 : f32
        scf.condition(%gt3A_219) %while3A_212 : vector<1x128xf32>
      } do {
      ^bb0(%while3A_212: vector<1x128xf32>):
        %gt3A_213 = arith.constant 5.000000e-01 : f32
        %gt3A_214 = vector.broadcast %gt3A_213 : f32 to vector<1x128xf32>
        %gt3A_215 = arith.cmpf ogt, %while3A_212, %gt3A_214 : vector<1x128xf32>
        %jit3A_216 = arith.constant 1073741824 : i32
        %broadcast_in_dim3A_217 = vector.broadcast %jit3A_216 : i32 to vector<1x128xi32>
        %select_n3A_218 = arith.select %gt3A_215, %iota3A_29, %broadcast_in_dim3A_217 : vector<1x128xi1>, vector<1x128xi32>
        %reduce_min3A_219 = vector.shape_cast %select_n3A_218 : vector<1x128xi32> to vector<1x1x128xi32>
        %reduce_min3A_220 = arith.constant dense<2147483647> : vector<1xi32>
        %reduce_min3A_221 = vector.multi_reduction <minsi>, %reduce_min3A_219, %reduce_min3A_220 [1, 2] : vector<1x1x128xi32> to vector<1xi32>
        %reduce_min3A_222 = vector.shape_cast %reduce_min3A_221 : vector<1xi32> to vector<1x1x1xi32>
        %reduce_min3A_223 = vector.extract %reduce_min3A_222[0, 0, 0] : i32 from vector<1x1x1xi32>
        %while3A_224 = arith.constant true
        %while3A_225 = scf.while (%while3A_231 = %while3A_224) : (i1) -> i1 {
          scf.condition(%while3A_231) %while3A_231 : i1
        } do {
        ^bb0(%while3A_231: i1):
          %get3A_232 = arith.index_cast %reduce_min3A_223 : i32 to index
          %get3A_233 = arith.constant 0 : index
          %get3A_234 = memref.load %arg1[%get3A_232, %get3A_233] : memref<100x4xf32, #tpu.memory_space<smem>>
          %get3A_235 = arith.index_cast %reduce_min3A_223 : i32 to index
          %get3A_236 = arith.constant 1 : index
          %get3A_237 = memref.load %arg1[%get3A_235, %get3A_236] : memref<100x4xf32, #tpu.memory_space<smem>>
          %get3A_238 = arith.index_cast %reduce_min3A_223 : i32 to index
          %get3A_239 = arith.constant 2 : index
          %get3A_240 = memref.load %arg1[%get3A_238, %get3A_239] : memref<100x4xf32, #tpu.memory_space<smem>>
          %get3A_241 = arith.index_cast %reduce_min3A_223 : i32 to index
          %get3A_242 = arith.constant 3 : index
          %get3A_243 = memref.load %arg1[%get3A_241, %get3A_242] : memref<100x4xf32, #tpu.memory_space<smem>>
          %sub3A_244 = arith.subf %get3A_240, %get3A_234 : f32
          %sub3A_245 = arith.subf %get3A_243, %get3A_237 : f32
          %mul3A_246 = arith.mulf %sub3A_244, %sub3A_245 : f32
          %get3A_247 = arith.constant 0 : index
          %get3A_248 = arith.constant 0 : index
          %get3A_249 = vector.load %arg4[%get3A_247, %get3A_248] : memref<160x128xf32, #tpu.memory_space<vmem>>, vector<160x128xf32>
          %max3A = vector.broadcast %get3A_234 : f32 to vector<160x128xf32>
          %max3A_250 = arith.maximumf %get3A_3, %max3A : vector<160x128xf32>
          %max3A_251 = vector.broadcast %get3A_237 : f32 to vector<160x128xf32>
          %max3A_252 = arith.maximumf %get3A_8, %max3A_251 : vector<160x128xf32>
          %min3A = vector.broadcast %get3A_240 : f32 to vector<160x128xf32>
          %min3A_253 = arith.minimumf %get3A_13, %min3A : vector<160x128xf32>
          %min3A_254 = vector.broadcast %get3A_243 : f32 to vector<160x128xf32>
          %min3A_255 = arith.minimumf %get3A_18, %min3A_254 : vector<160x128xf32>
          %sub3A_256 = arith.subf %min3A_253, %max3A_250 : vector<160x128xf32>
          %max3A_257 = arith.constant 0.000000e+00 : f32
          %max3A_258 = vector.broadcast %max3A_257 : f32 to vector<160x128xf32>
          %max3A_259 = arith.maximumf %sub3A_256, %max3A_258 : vector<160x128xf32>
          %sub3A_260 = arith.subf %min3A_255, %max3A_252 : vector<160x128xf32>
          %max3A_261 = arith.constant 0.000000e+00 : f32
          %max3A_262 = vector.broadcast %max3A_261 : f32 to vector<160x128xf32>
          %max3A_263 = arith.maximumf %sub3A_260, %max3A_262 : vector<160x128xf32>
          %mul3A_264 = arith.mulf %max3A_259, %max3A_263 : vector<160x128xf32>
          %add3A_265 = vector.broadcast %mul3A_246 : f32 to vector<160x128xf32>
          %add3A_266 = arith.addf %get3A_249, %add3A_265 : vector<160x128xf32>
          %sub3A_267 = arith.subf %add3A_266, %mul3A_264 : vector<160x128xf32>
          %max3A_268 = arith.constant 9.99999971E-10 : f32
          %max3A_269 = vector.broadcast %max3A_268 : f32 to vector<160x128xf32>
          %max3A_270 = arith.maximumf %sub3A_267, %max3A_269 : vector<160x128xf32>
          %div3A = arith.divf %mul3A_264, %max3A_270 : vector<160x128xf32>
          %get3A_271 = arith.constant 0 : index
          %get3A_272 = arith.constant 0 : index
          %get3A_273 = vector.load %arg8[%get3A_271, %get3A_272] : memref<160x128xf32, #tpu.memory_space<vmem>>, vector<160x128xf32>
          %add3A_274 = arith.addf %div3A, %get3A_273 : vector<160x128xf32>
          %reduce_max3A_275 = vector.shape_cast %add3A_274 : vector<160x128xf32> to vector<1x160x128xf32>
          %reduce_max3A_276 = arith.constant dense<0xFF800000> : vector<1xf32>
          %reduce_max3A_277 = vector.multi_reduction <maximumf>, %reduce_max3A_275, %reduce_max3A_276 [1, 2] : vector<1x160x128xf32> to vector<1xf32>
          %reduce_max3A_278 = vector.shape_cast %reduce_max3A_277 : vector<1xf32> to vector<1x1x1xf32>
          %reduce_max3A_279 = vector.extract %reduce_max3A_278[0, 0, 0] : f32 from vector<1x1x1xf32>
          %eq3A_280 = vector.broadcast %reduce_max3A_279 : f32 to vector<160x128xf32>
          %eq3A_281 = arith.cmpf oeq, %add3A_274, %eq3A_280 : vector<160x128xf32>
          %get3A_282 = arith.constant 0 : index
          %get3A_283 = arith.constant 0 : index
          %get3A_284 = vector.load %arg5[%get3A_282, %get3A_283] : memref<160x128xi32, #tpu.memory_space<vmem>>, vector<160x128xi32>
          %jit3A_285 = arith.constant 1073741824 : i32
          %broadcast_in_dim3A_286 = vector.broadcast %jit3A_285 : i32 to vector<160x128xi32>
          %select_n3A_287 = arith.select %eq3A_281, %get3A_284, %broadcast_in_dim3A_286 : vector<160x128xi1>, vector<160x128xi32>
          %reduce_min3A_288 = vector.shape_cast %select_n3A_287 : vector<160x128xi32> to vector<1x160x128xi32>
          %reduce_min3A_289 = arith.constant dense<2147483647> : vector<1xi32>
          %reduce_min3A_290 = vector.multi_reduction <minsi>, %reduce_min3A_288, %reduce_min3A_289 [1, 2] : vector<1x160x128xi32> to vector<1xi32>
          %reduce_min3A_291 = vector.shape_cast %reduce_min3A_290 : vector<1xi32> to vector<1x1x1xi32>
          %reduce_min3A_292 = vector.extract %reduce_min3A_291[0, 0, 0] : i32 from vector<1x1x1xi32>
          %get3A_293 = arith.constant 0 : index
          %get3A_294 = arith.constant 0 : index
          %get3A_295 = vector.load %arg2[%get3A_293, %get3A_294] : memref<2x128xi32, #tpu.memory_space<vmem>>, vector<1x128xi32>
          %eq3A_296 = vector.broadcast %reduce_min3A_292 : i32 to vector<1x128xi32>
          %eq3A_297 = arith.cmpi eq, %get3A_295, %eq3A_296 : vector<1x128xi32>
          %get3A_298 = arith.constant 0 : index
          %get3A_299 = arith.constant 0 : index
          %get3A_300 = vector.load %arg3[%get3A_298, %get3A_299] : memref<2x128xf32, #tpu.memory_space<vmem>>, vector<1x128xf32>
          %gt3A_301 = arith.constant 5.000000e-01 : f32
          %gt3A_302 = vector.broadcast %gt3A_301 : f32 to vector<1x128xf32>
          %gt3A_303 = arith.cmpf ogt, %get3A_300, %gt3A_302 : vector<1x128xf32>
          %and3A_304 = arith.andi %eq3A_297, %gt3A_303 : vector<1x128xi1>
          %jit3A_305 = arith.constant 1 : i32
          %jit3A_306 = arith.constant 0 : i32
          %broadcast_in_dim3A_307 = vector.broadcast %jit3A_305 : i32 to vector<1x128xi32>
          %broadcast_in_dim3A_308 = vector.broadcast %jit3A_306 : i32 to vector<1x128xi32>
          %select_n3A_309 = arith.select %and3A_304, %broadcast_in_dim3A_307, %broadcast_in_dim3A_308 : vector<1x128xi1>, vector<1x128xi32>
          %reduce_max3A_310 = vector.shape_cast %select_n3A_309 : vector<1x128xi32> to vector<1x1x128xi32>
          %reduce_max3A_311 = arith.constant dense<-2147483648> : vector<1xi32>
          %reduce_max3A_312 = vector.multi_reduction <maxsi>, %reduce_max3A_310, %reduce_max3A_311 [1, 2] : vector<1x1x128xi32> to vector<1xi32>
          %reduce_max3A_313 = vector.shape_cast %reduce_max3A_312 : vector<1xi32> to vector<1x1x1xi32>
          %reduce_max3A_314 = vector.extract %reduce_max3A_313[0, 0, 0] : i32 from vector<1x1x1xi32>
          %gt3A_315 = arith.constant 0 : i32
          %gt3A_316 = arith.cmpi sgt, %reduce_max3A_314, %gt3A_315 : i32
          %gt3A_317 = arith.constant 0xFF800000 : f32
          %gt3A_318 = arith.cmpf ogt, %reduce_max3A_279, %gt3A_317 : f32
          %and3A_319 = arith.andi %gt3A_316, %gt3A_318 : i1
          %convert_element_type3A = arith.extui %and3A_319 : i1 to i32
          %cond3A = arith.constant 0 : i32
          %cond3A_320 = arith.cmpi ne, %convert_element_type3A, %cond3A : i32
          scf.if %cond3A_320 {
            %jit3A_326 = arith.constant 128 : i32
            %div3A_327 = arith.divsi %reduce_min3A_292, %jit3A_326 : i32
            %sign3A = arith.constant 0 : i32
            %sign3A_328 = arith.cmpi sgt, %reduce_min3A_292, %sign3A : i32
            %sign3A_329 = arith.extui %sign3A_328 : i1 to i32
            %sign3A_330 = arith.constant 0 : i32
            %sign3A_331 = arith.cmpi slt, %reduce_min3A_292, %sign3A_330 : i32
            %sign3A_332 = arith.extui %sign3A_331 : i1 to i32
            %sign3A_333 = arith.subi %sign3A_329, %sign3A_332 : i32
            %sign3A_334 = arith.constant 0 : i32
            %sign3A_335 = arith.cmpi sgt, %jit3A_326, %sign3A_334 : i32
            %sign3A_336 = arith.extui %sign3A_335 : i1 to i32
            %sign3A_337 = arith.constant 0 : i32
            %sign3A_338 = arith.cmpi slt, %jit3A_326, %sign3A_337 : i32
            %sign3A_339 = arith.extui %sign3A_338 : i1 to i32
            %sign3A_340 = arith.subi %sign3A_336, %sign3A_339 : i32
            %ne3A = arith.cmpi ne, %sign3A_333, %sign3A_340 : i32
            %rem3A = arith.remsi %reduce_min3A_292, %jit3A_326 : i32
            %ne3A_341 = arith.constant 0 : i32
            %ne3A_342 = arith.cmpi ne, %rem3A, %ne3A_341 : i32
            %and3A_343 = arith.andi %ne3A, %ne3A_342 : i1
            %sub3A_344 = arith.constant 1 : i32
            %sub3A_345 = arith.subi %div3A_327, %sub3A_344 : i32
            %select_n3A_346 = arith.select %and3A_343, %sub3A_345, %div3A_327 : i32
            %jit3A_347 = arith.constant 128 : i32
            %eq3A_348 = arith.constant 0 : i32
            %eq3A_349 = arith.cmpi eq, %jit3A_347, %eq3A_348 : i32
            %jit3A_350 = arith.constant 1 : i32
            %select_n3A_351 = arith.select %eq3A_349, %jit3A_350, %jit3A_347 : i32
            %rem3A_352 = arith.remsi %reduce_min3A_292, %select_n3A_351 : i32
            %ne3A_353 = arith.constant 0 : i32
            %ne3A_354 = arith.cmpi ne, %rem3A_352, %ne3A_353 : i32
            %lt3A = arith.constant 0 : i32
            %lt3A_355 = arith.cmpi slt, %rem3A_352, %lt3A : i32
            %lt3A_356 = arith.constant 0 : i32
            %lt3A_357 = arith.cmpi slt, %select_n3A_351, %lt3A_356 : i32
            %ne3A_358 = arith.xori %lt3A_355, %lt3A_357 : i1
            %and3A_359 = arith.andi %ne3A_358, %ne3A_354 : i1
            %add3A_360 = arith.addi %rem3A_352, %select_n3A_351 : i32
            %select_n3A_361 = arith.select %and3A_359, %add3A_360, %rem3A_352 : i32
            %get3A_362 = arith.index_cast %select_n3A_346 : i32 to index
            %get3A_363 = arith.constant 0 : index
            %get3A_364 = vector.load %arg8[%get3A_362, %get3A_363] : memref<160x128xf32, #tpu.memory_space<vmem>>, vector<1x128xf32>
            %eq3A_365 = vector.broadcast %select_n3A_361 : i32 to vector<1x128xi32>
            %eq3A_366 = arith.cmpi eq, %iota3A_29, %eq3A_365 : vector<1x128xi32>
            %jit3A_367 = arith.constant 0xFF800000 : f32
            %broadcast_in_dim3A_368 = vector.broadcast %jit3A_367 : f32 to vector<1x128xf32>
            %select_n3A_369 = arith.select %eq3A_366, %broadcast_in_dim3A_368, %get3A_364 : vector<1x128xi1>, vector<1x128xf32>
            %swap3A_370 = arith.index_cast %select_n3A_346 : i32 to index
            %swap3A_371 = arith.constant 0 : index
            %swap3A_372 = vector.load %arg8[%swap3A_370, %swap3A_371] : memref<160x128xf32, #tpu.memory_space<vmem>>, vector<1x128xf32>
            tpu.vector_store %arg8[%swap3A_370, %swap3A_371], %select_n3A_369 {strides = array<i32>} : memref<160x128xf32, #tpu.memory_space<vmem>>, vector<1x128xf32>,
          } else {
          }
          %not3A_321 = arith.constant true
          %not3A_322 = arith.xori %and3A_319, %not3A_321 : i1
          %convert_element_type3A_323 = arith.extui %not3A_322 : i1 to i32
          %cond3A_324 = arith.constant 0 : i32
          %cond3A_325 = arith.cmpi ne, %convert_element_type3A_323, %cond3A_324 : i32
          scf.if %cond3A_325 {
            %eq3A_326 = vector.broadcast %reduce_min3A_223 : i32 to vector<1x128xi32>
            %eq3A_327 = arith.cmpi eq, %iota3A_29, %eq3A_326 : vector<1x128xi32>
            %get3A_328 = arith.constant 0 : index
            %get3A_329 = arith.constant 0 : index
            %get3A_330 = vector.load %arg6[%get3A_328, %get3A_329] : memref<1x128xf32, #tpu.memory_space<vmem>>, vector<1x128xf32>
            %broadcast_in_dim3A_331 = vector.broadcast %reduce_max3A_279 : f32 to vector<1x128xf32>
            %select_n3A_332 = arith.select %eq3A_327, %broadcast_in_dim3A_331, %get3A_330 : vector<1x128xi1>, vector<1x128xf32>
            %swap3A_333 = arith.constant 0 : index
            %swap3A_334 = arith.constant 0 : index
            %swap3A_335 = vector.load %arg6[%swap3A_333, %swap3A_334] : memref<1x128xf32, #tpu.memory_space<vmem>>, vector<1x128xf32>
            tpu.vector_store %arg6[%swap3A_333, %swap3A_334], %select_n3A_332 {strides = array<i32>} : memref<1x128xf32, #tpu.memory_space<vmem>>, vector<1x128xf32>,
            %get3A_336 = arith.constant 0 : index
            %get3A_337 = arith.constant 0 : index
            %get3A_338 = vector.load %arg7[%get3A_336, %get3A_337] : memref<1x128xi32, #tpu.memory_space<vmem>>, vector<1x128xi32>
            %broadcast_in_dim3A_339 = vector.broadcast %reduce_min3A_292 : i32 to vector<1x128xi32>
            %select_n3A_340 = arith.select %eq3A_327, %broadcast_in_dim3A_339, %get3A_338 : vector<1x128xi1>, vector<1x128xi32>
            %swap3A_341 = arith.constant 0 : index
            %swap3A_342 = arith.constant 0 : index
            %swap3A_343 = vector.load %arg7[%swap3A_341, %swap3A_342] : memref<1x128xi32, #tpu.memory_space<vmem>>, vector<1x128xi32>
            tpu.vector_store %arg7[%swap3A_341, %swap3A_342], %select_n3A_340 {strides = array<i32>} : memref<1x128xi32, #tpu.memory_space<vmem>>, vector<1x128xi32>,
          } else {
          }
          scf.yield %and3A_319 : i1
        }
        %eq3A_226 = vector.broadcast %reduce_min3A_223 : i32 to vector<1x128xi32>
        %eq3A_227 = arith.cmpi eq, %iota3A_29, %eq3A_226 : vector<1x128xi32>
        %jit3A_228 = arith.constant 0.000000e+00 : f32
        %broadcast_in_dim3A_229 = vector.broadcast %jit3A_228 : f32 to vector<1x128xf32>
        %select_n3A_230 = arith.select %eq3A_227, %broadcast_in_dim3A_229, %while3A_212 : vector<1x128xi1>, vector<1x128xf32>
        scf.yield %select_n3A_230 : vector<1x128xf32>
      }
      %get3A_202 = arith.constant 0 : index
      %get3A_203 = arith.constant 0 : index
      %get3A_204 = vector.load %arg6[%get3A_202, %get3A_203] : memref<1x128xf32, #tpu.memory_space<vmem>>, vector<1x128xf32>
      %reduce_max3A_205 = vector.shape_cast %get3A_204 : vector<1x128xf32> to vector<1x1x128xf32>
      %reduce_max3A_206 = arith.constant dense<0xFF800000> : vector<1xf32>
      %reduce_max3A_207 = vector.multi_reduction <maximumf>, %reduce_max3A_205, %reduce_max3A_206 [1, 2] : vector<1x1x128xf32> to vector<1xf32>
      %reduce_max3A_208 = vector.shape_cast %reduce_max3A_207 : vector<1xf32> to vector<1x1x1xf32>
      %reduce_max3A_209 = vector.extract %reduce_max3A_208[0, 0, 0] : f32 from vector<1x1x1xf32>
      %ge3A_210 = arith.constant 5.000000e-01 : f32
      %ge3A_211 = arith.cmpf oge, %reduce_max3A_209, %ge3A_210 : f32
      scf.yield %ge3A_211 : i1
    }
    return
  }
}

module attributes {stable_mosaic.version = 14 : i64} {
  func.func @_loss_body(%arg0: memref<256x128xf32, #tpu.memory_space<vmem>>, %arg1: memref<256x128xf32, #tpu.memory_space<vmem>>, %arg2: memref<256x1xf32, #tpu.memory_space<vmem>>, %arg3: memref<1x128xf32, #tpu.memory_space<vmem>>) attributes {dimension_semantics = [], scalar_prefetch = 0 : i64, scratch_operands = 0 : i64, tpu.core_type = #tpu.core_type<tc>} {
    %get3A = arith.constant 0 : index
    %get3A_0 = arith.constant 0 : index
    %get3A_1 = vector.load %arg2[%get3A, %get3A_0] : memref<256x1xf32, #tpu.memory_space<vmem>>, vector<256x1xf32>
    %reduce_sum3A = vector.shape_cast %get3A_1 : vector<256x1xf32> to vector<1x256x1xf32>
    %reduce_sum3A_2 = arith.constant dense<0.000000e+00> : vector<1xf32>
    %reduce_sum3A_3 = vector.multi_reduction <add>, %reduce_sum3A, %reduce_sum3A_2 [1, 2] : vector<1x256x1xf32> to vector<1xf32>
    %reduce_sum3A_4 = vector.shape_cast %reduce_sum3A_3 : vector<1xf32> to vector<1x1x1xf32>
    %reduce_sum3A_5 = vector.extract %reduce_sum3A_4[0, 0, 0] : f32 from vector<1x1x1xf32>
    %get3A_6 = arith.constant 0 : index
    %get3A_7 = arith.constant 0 : index
    %get3A_8 = vector.load %arg0[%get3A_6, %get3A_7] : memref<256x128xf32, #tpu.memory_space<vmem>>, vector<256x128xf32>
    %get3A_9 = arith.constant 0 : index
    %get3A_10 = arith.constant 0 : index
    %get3A_11 = vector.load %arg1[%get3A_9, %get3A_10] : memref<256x128xf32, #tpu.memory_space<vmem>>, vector<256x128xf32>
    %iota3A = tpu.iota {dimensions = array<i32: 1>} : vector<256x128xi32>
    %lt3A = arith.constant 80 : i32
    %lt3A_12 = vector.broadcast %lt3A : i32 to vector<256x128xi32>
    %lt3A_13 = arith.cmpi slt, %iota3A, %lt3A_12 : vector<256x128xi32>
    %jit3A = arith.constant 0xFF800000 : f32
    %broadcast_in_dim3A = vector.broadcast %jit3A : f32 to vector<256x128xf32>
    %select_n3A = arith.select %lt3A_13, %get3A_8, %broadcast_in_dim3A : vector<256x128xi1>, vector<256x128xf32>
    %reduce_max3A = arith.constant dense<0xFF800000> : vector<256xf32>
    %reduce_max3A_14 = vector.multi_reduction <maximumf>, %select_n3A, %reduce_max3A [1] : vector<256x128xf32> to vector<256xf32>
    %broadcast_in_dim3A_15 = vector.shape_cast %reduce_max3A_14 : vector<256xf32> to vector<256x1xf32>
    %lt3A_16 = arith.constant 80 : i32
    %lt3A_17 = vector.broadcast %lt3A_16 : i32 to vector<256x128xi32>
    %lt3A_18 = arith.cmpi slt, %iota3A, %lt3A_17 : vector<256x128xi32>
    %sub3A = vector.broadcast %broadcast_in_dim3A_15 : vector<256x1xf32> to vector<256x128xf32>
    %sub3A_19 = arith.subf %get3A_8, %sub3A : vector<256x128xf32>
    %exp3A = math.exp %sub3A_19 : vector<256x128xf32>
    %jit3A_20 = arith.constant 0.000000e+00 : f32
    %broadcast_in_dim3A_21 = vector.broadcast %jit3A_20 : f32 to vector<256x128xf32>
    %select_n3A_22 = arith.select %lt3A_18, %exp3A, %broadcast_in_dim3A_21 : vector<256x128xi1>, vector<256x128xf32>
    %reduce_sum3A_23 = arith.constant dense<0.000000e+00> : vector<256xf32>
    %reduce_sum3A_24 = vector.multi_reduction <add>, %select_n3A_22, %reduce_sum3A_23 [1] : vector<256x128xf32> to vector<256xf32>
    %broadcast_in_dim3A_25 = vector.shape_cast %reduce_sum3A_24 : vector<256xf32> to vector<256x1xf32>
    %log3A = math.log %broadcast_in_dim3A_25 : vector<256x1xf32>
    %add3A = arith.addf %log3A, %broadcast_in_dim3A_15 : vector<256x1xf32>
    %eq3A = arith.constant 84 : i32
    %eq3A_26 = vector.broadcast %eq3A : i32 to vector<256x128xi32>
    %eq3A_27 = arith.cmpi eq, %iota3A, %eq3A_26 : vector<256x128xi32>
    %jit3A_28 = arith.constant 0.000000e+00 : f32
    %broadcast_in_dim3A_29 = vector.broadcast %jit3A_28 : f32 to vector<256x128xf32>
    %select_n3A_30 = arith.select %eq3A_27, %get3A_11, %broadcast_in_dim3A_29 : vector<256x128xi1>, vector<256x128xf32>
    %reduce_sum3A_31 = arith.constant dense<0.000000e+00> : vector<256xf32>
    %reduce_sum3A_32 = vector.multi_reduction <add>, %select_n3A_30, %reduce_sum3A_31 [1] : vector<256x128xf32> to vector<256xf32>
    %broadcast_in_dim3A_33 = vector.shape_cast %reduce_sum3A_32 : vector<256xf32> to vector<256x1xf32>
    %convert_element_type3A = arith.sitofp %iota3A : vector<256x128xi32> to vector<256x128xf32>
    %eq3A_34 = vector.broadcast %broadcast_in_dim3A_33 : vector<256x1xf32> to vector<256x128xf32>
    %eq3A_35 = arith.cmpf oeq, %convert_element_type3A, %eq3A_34 : vector<256x128xf32>
    %jit3A_36 = arith.constant 0.000000e+00 : f32
    %broadcast_in_dim3A_37 = vector.broadcast %jit3A_36 : f32 to vector<256x128xf32>
    %select_n3A_38 = arith.select %eq3A_35, %get3A_8, %broadcast_in_dim3A_37 : vector<256x128xi1>, vector<256x128xf32>
    %reduce_sum3A_39 = arith.constant dense<0.000000e+00> : vector<256xf32>
    %reduce_sum3A_40 = vector.multi_reduction <add>, %select_n3A_38, %reduce_sum3A_39 [1] : vector<256x128xf32> to vector<256xf32>
    %broadcast_in_dim3A_41 = vector.shape_cast %reduce_sum3A_40 : vector<256xf32> to vector<256x1xf32>
    %sub3A_42 = arith.subf %add3A, %broadcast_in_dim3A_41 : vector<256x1xf32>
    %mul3A = arith.mulf %sub3A_42, %get3A_1 : vector<256x1xf32>
    %reduce_sum3A_43 = vector.shape_cast %mul3A : vector<256x1xf32> to vector<1x256x1xf32>
    %reduce_sum3A_44 = arith.constant dense<0.000000e+00> : vector<1xf32>
    %reduce_sum3A_45 = vector.multi_reduction <add>, %reduce_sum3A_43, %reduce_sum3A_44 [1, 2] : vector<1x256x1xf32> to vector<1xf32>
    %reduce_sum3A_46 = vector.shape_cast %reduce_sum3A_45 : vector<1xf32> to vector<1x1x1xf32>
    %reduce_sum3A_47 = vector.extract %reduce_sum3A_46[0, 0, 0] : f32 from vector<1x1x1xf32>
    %sub3A_48 = arith.subf %get3A_8, %get3A_11 : vector<256x128xf32>
    %abs3A = math.absf %sub3A_48 : vector<256x128xf32>
    %lt3A_49 = arith.constant 1.000000e+00 : f32
    %lt3A_50 = vector.broadcast %lt3A_49 : f32 to vector<256x128xf32>
    %lt3A_51 = arith.cmpf olt, %abs3A, %lt3A_50 : vector<256x128xf32>
    %mul3A_52 = arith.constant 5.000000e-01 : f32
    %mul3A_53 = vector.broadcast %mul3A_52 : f32 to vector<256x128xf32>
    %mul3A_54 = arith.mulf %mul3A_53, %sub3A_48 : vector<256x128xf32>
    %mul3A_55 = arith.mulf %mul3A_54, %sub3A_48 : vector<256x128xf32>
    %sub3A_56 = arith.constant 5.000000e-01 : f32
    %sub3A_57 = vector.broadcast %sub3A_56 : f32 to vector<256x128xf32>
    %sub3A_58 = arith.subf %abs3A, %sub3A_57 : vector<256x128xf32>
    %select_n3A_59 = arith.select %lt3A_51, %mul3A_55, %sub3A_58 : vector<256x128xi1>, vector<256x128xf32>
    %ge3A = arith.constant 80 : i32
    %ge3A_60 = vector.broadcast %ge3A : i32 to vector<256x128xi32>
    %ge3A_61 = arith.cmpi sge, %iota3A, %ge3A_60 : vector<256x128xi32>
    %lt3A_62 = arith.constant 84 : i32
    %lt3A_63 = vector.broadcast %lt3A_62 : i32 to vector<256x128xi32>
    %lt3A_64 = arith.cmpi slt, %iota3A, %lt3A_63 : vector<256x128xi32>
    %and3A = arith.andi %ge3A_61, %lt3A_64 : vector<256x128xi1>
    %jit3A_65 = arith.constant 0.000000e+00 : f32
    %broadcast_in_dim3A_66 = vector.broadcast %jit3A_65 : f32 to vector<256x128xf32>
    %select_n3A_67 = arith.select %and3A, %select_n3A_59, %broadcast_in_dim3A_66 : vector<256x128xi1>, vector<256x128xf32>
    %mul3A_68 = vector.broadcast %get3A_1 : vector<256x1xf32> to vector<256x128xf32>
    %mul3A_69 = arith.mulf %select_n3A_67, %mul3A_68 : vector<256x128xf32>
    %reduce_sum3A_70 = vector.shape_cast %mul3A_69 : vector<256x128xf32> to vector<1x256x128xf32>
    %reduce_sum3A_71 = arith.constant dense<0.000000e+00> : vector<1xf32>
    %reduce_sum3A_72 = vector.multi_reduction <add>, %reduce_sum3A_70, %reduce_sum3A_71 [1, 2] : vector<1x256x128xf32> to vector<1xf32>
    %reduce_sum3A_73 = vector.shape_cast %reduce_sum3A_72 : vector<1xf32> to vector<1x1x1xf32>
    %reduce_sum3A_74 = vector.extract %reduce_sum3A_73[0, 0, 0] : f32 from vector<1x1x1xf32>
    %iota3A_75 = tpu.iota {dimensions = array<i32: 1>} : vector<1x128xi32>
    %max3A = arith.constant 1.000000e+00 : f32
    %max3A_76 = arith.maximumf %reduce_sum3A_5, %max3A : f32
    %eq3A_77 = arith.constant 0 : i32
    %eq3A_78 = vector.broadcast %eq3A_77 : i32 to vector<1x128xi32>
    %eq3A_79 = arith.cmpi eq, %iota3A_75, %eq3A_78 : vector<1x128xi32>
    %div3A = arith.divf %reduce_sum3A_47, %max3A_76 : f32
    %eq3A_80 = arith.constant 1 : i32
    %eq3A_81 = vector.broadcast %eq3A_80 : i32 to vector<1x128xi32>
    %eq3A_82 = arith.cmpi eq, %iota3A_75, %eq3A_81 : vector<1x128xi32>
    %mul3A_83 = arith.constant 4.000000e+00 : f32
    %mul3A_84 = arith.mulf %max3A_76, %mul3A_83 : f32
    %div3A_85 = arith.divf %reduce_sum3A_74, %mul3A_84 : f32
    %jit3A_86 = arith.constant 0.000000e+00 : f32
    %broadcast_in_dim3A_87 = vector.broadcast %div3A_85 : f32 to vector<1x128xf32>
    %broadcast_in_dim3A_88 = vector.broadcast %jit3A_86 : f32 to vector<1x128xf32>
    %select_n3A_89 = arith.select %eq3A_82, %broadcast_in_dim3A_87, %broadcast_in_dim3A_88 : vector<1x128xi1>, vector<1x128xf32>
    %broadcast_in_dim3A_90 = vector.broadcast %div3A : f32 to vector<1x128xf32>
    %select_n3A_91 = arith.select %eq3A_79, %broadcast_in_dim3A_90, %select_n3A_89 : vector<1x128xi1>, vector<1x128xf32>
    %swap3A = arith.constant 0 : index
    %swap3A_92 = arith.constant 0 : index
    %swap3A_93 = vector.load %arg3[%swap3A, %swap3A_92] : memref<1x128xf32, #tpu.memory_space<vmem>>, vector<1x128xf32>
    tpu.vector_store %arg3[%swap3A, %swap3A_92], %select_n3A_91 {strides = array<i32>} : memref<1x128xf32, #tpu.memory_space<vmem>>, vector<1x128xf32>,
    return
  }
}

</mosaic_0001>

<sc_bundles>
// kernel: kernel.5.cloned.1.call-start
scs
__scs_entry_jumppad:
0x0: {  	(pc) =	sbr.rel $0x88, $3  }
0x1: {  	(tag) =	ssettag $0x0;
	lr =	simm.s32 $0x1  }
0x2: {  	[smem:$0x3F9D] =	sst lr;
	_ =	strace $0xD0000000  }
0x3: {  	_ = 	snop  }
0x4: {  	_ = 	snop  }
0x5: {  	_ = 	snop  }
0x6: {  	_ = 	snop  }
0x7: {  	_ = 	snop  }
__scs_overlays_trampoline_lowered:
0x8: {  	[smem:$0x3FAC] =	sst s0  }
0x9: {  	[smem:$0x3FAD] =	sst s1  }
0xa: {  	[smem:$0x3FAE] =	sst s2  }
0xb: {  	[smem:$0x3FAF] =	sst s3  }
0xc: {  	[smem:$0x3FB0] =	sst s4  }
0xd: {  	[smem:$0x3FB1] =	sst s5  }
0xe: {  	[smem:$0x3FB2] =	sst s6  }
0xf: {  	[smem:$0x3FB3] =	sst s7  }
0x10: {  	[smem:$0x3FB4] =	sst s8  }
0x11: {  	[smem:$0x3FB5] =	sst s9;
	s0 =	simm.s32 @!p0 $0x0  }
0x12: {  	s1 =	sld [smem:$0x3F9B];
	s0 =	simm.s32 @p0 $0x1  }
0x13: {  	[smem:$0x3FB6] =	sst s0;
	s0 =	simm.s32 @!p1 $0x0  }
0x14: {  	s2 =	sld [smem:$0x3F9A];
	s0 =	simm.s32 @p1 $0x1  }
0x15: {  	[smem:$0x3FB7] =	sst s0;
	s0 =	simm.s32 @!p2 $0x0  }
0x16: {  	s3 =	sld [smem:$0x3FDB];
	s0 =	simm.s32 @p2 $0x1  }
0x17: {  	s4 =	simm.s32 $0x1BF5;
	[smem:$0x3FB9] =	sst s0  }
0x18: {  	s0 =	sld [smem:$0x3F9C];
	_ =	swait.ge [sflag:s4], $0x0  }
0x19: {  	s7 =	sld [smem:$0x3F9D]  }
0x1a: {  	s8 =	sadd.s32 $0xFFFFE003, lr  }
0x1b: {  	s9 =	sadd.s32 $0xFFFFFEF7, lr;
	s5 =	simm.s32 $0xFFFFFFFF;
	p2 =	slt.u32 s8, $0xFFFFF086  }
0x1c: {  	p1 =	slt.u32 s9, $0xF7A;
	s5 =	simm.s32 @!p2 $0x0  }
0x1d: {  	s5 =	simm.s32 @p1 $0x1;
	p0 =	seq.s32 s7, s2  }
0x1e: {  	s7 =	smul.u32 @!p0 $0xF7A, s2;
	p2 =	seq.s32 @!p0 s5, $0x0  }
0x1f: {  	s9 =	smul.u32 $0xF7A, s1;
	s8 =	simm.s32 @!p0 $0x1BF5;
	p2 =	por !p2, p0  }
0x20: {  	[sflag:s8] =	ssyncset.s32 @!p0 $0xFFFFF086;
	s6 =	sadd.s32 @!p0 s3, s7;
	s7 =	simm.s32 @!p0 $0x108  }
0x21: {  	s3 =	sadd.s32 s3, s9;
	s6 =	sadd.s32 @!p0 $0x88, s6;
	s7 =	simm.s32 @p2 $0x1082  }
0x22: {  	[simem:s7], [sflag:s8] =	dma.local @!p0 [hbm:s6], $0xF7A  }
0x23: {  	s9 =	sor.u32 $0xD0000000, s2;
	s6 =	simm.s32 $0x108;
	_ =	swait.ge @!p0 [sflag:s8], $0x0  }
0x24: {  	s3 =	sadd.s32 $0x88, s3;
	s6 =	simm.s32 @!p1 $0x1082;
	[sflag:s4] =	ssyncset.s32 $0xFFFFF086  }
0x25: {  	[simem:s6], [sflag:s4] =	dma.local [hbm:s3], $0xF7A  }
0x26: {  	[smem:$0x3F9D] =	sst s1;
	(tag) =	ssettag s2;
	_ =	strace s9  }
0x27: {  	s1 =	sld [smem:$0x3FAD]  }
0x28: {  	s2 =	sld [smem:$0x3FAE]  }
0x29: {  	s4 =	sld [smem:$0x3FB0]  }
0x2a: {  	p0 =	seq.s32 s5, $0x0;
	s5 =	sld [smem:$0x3FB1]  }
0x2b: {  	s6 =	sld [smem:$0x3FB2]  }
0x2c: {  	s7 =	sld [smem:$0x3FB3]  }
0x2d: {  	s3 =	simm.s32 $0x108;
	s8 =	sld [smem:$0x3FB4]  }
0x2e: {  	s3 =	simm.s32 @!p0 $0x1082;
	s9 =	sld [smem:$0x3FB5]  }
0x2f: {  	lr =	sadd.s32 s0, s3;
	s0 =	sld [smem:$0x3FAC]  }
0x30: {  	s3 =	sld [smem:$0x3FAF]  }
0x31: {  	[smem:$0x3FB8] =	sst s10  }
0x32: {  	s10 =	sld [smem:$0x3FB6];
	_ =	sdelay $0x3  }
0x33: {  	p0 =	seq.s32 s10, $0x1;
	s10 =	sld [smem:$0x3FB8];
	_ =	sdelay $0x3  }
0x34: {  	[smem:$0x3FB8] =	sst s10  }
0x35: {  	s10 =	sld [smem:$0x3FB7];
	_ =	sdelay $0x3  }
0x36: {  	p1 =	seq.s32 s10, $0x1;
	s10 =	sld [smem:$0x3FB8];
	_ =	sdelay $0x3  }
0x37: {  	[smem:$0x3FB8] =	sst s10  }
0x38: {  	s10 =	sld [smem:$0x3FB9]  }
0x39: {  	_ = 	snop;
	(pc) =	sbr.ind lr, $3  }
0x3a: {  	_ = 	snop  }
0x3b: {  	_ = 	snop  }
0x3c: {  	p2 =	seq.s32 s10, $0x1;
	s10 =	sld [smem:$0x3FB8]  }
0x3d: {  	_ =	shalt  }
0x3e: {  	_ =	shalt  }
0x3f: {  	_ =	shalt  }
0x40: {  	_ =	shalt  }
0x41: {  	_ =	shalt  }
0x42: {  	_ =	shalt  }
0x43: {  	_ =	shalt  }
0x44: {  	_ =	shalt  }
0x45: {  	_ =	shalt  }
0x46: {  	_ =	shalt  }
0x47: {  	_ =	shalt  }
0x48: {  	_ =	shalt  }
0x49: {  	_ =	shalt  }
0x4a: {  	_ =	shalt  }
0x4b: {  	_ =	shalt  }
0x4c: {  	_ =	shalt  }
0x4d: {  	_ =	shalt  }
0x4e: {  	_ =	shalt  }
0x4f: {  	_ =	shalt  }
0x50: {  	_ =	shalt  }
0x51: {  	_ =	shalt  }
0x52: {  	_ =	shalt  }
0x53: {  	_ =	shalt  }
0x54: {  	_ =	shalt  }
0x55: {  	_ =	shalt  }
0x56: {  	_ =	shalt  }
0x57: {  	_ =	shalt  }
0x58: {  	_ =	shalt  }
0x59: {  	_ =	shalt  }
0x5a: {  	_ =	shalt  }
0x5b: {  	_ =	shalt  }
0x5c: {  	_ =	shalt  }
0x5d: {  	_ =	shalt  }
0x5e: {  	_ =	shalt  }
0x5f: {  	_ =	shalt  }
0x60: {  	_ =	shalt  }
0x61: {  	_ =	shalt  }
0x62: {  	_ =	shalt  }
0x63: {  	_ =	shalt  }
0x64: {  	_ =	shalt  }
0x65: {  	_ =	shalt  }
0x66: {  	_ =	shalt  }
0x67: {  	_ =	shalt  }
0x68: {  	_ =	shalt  }
0x69: {  	_ =	shalt  }
0x6a: {  	_ =	shalt  }
0x6b: {  	_ =	shalt  }
0x6c: {  	_ =	shalt  }
0x6d: {  	_ =	shalt  }
0x6e: {  	_ =	shalt  }
0x6f: {  	_ =	shalt  }
0x70: {  	_ =	shalt  }
0x71: {  	_ =	shalt  }
0x72: {  	_ =	shalt  }
0x73: {  	_ =	shalt  }
0x74: {  	_ =	shalt  }
0x75: {  	_ =	shalt  }
0x76: {  	_ =	shalt  }
0x77: {  	_ =	shalt  }
0x78: {  	_ =	shalt  }
0x79: {  	_ =	shalt  }
0x7a: {  	_ =	shalt  }
0x7b: {  	_ =	shalt  }
0x7c: {  	_ =	shalt  }
0x7d: {  	_ =	shalt  }
0x7e: {  	_ =	shalt  }
0x7f: {  	_ =	shalt  }
0x80: {  	_ =	shalt  }
0x81: {  	_ =	shalt  }
0x82: {  	_ =	shalt  }
0x83: {  	_ =	shalt  }
0x84: {  	_ =	shalt  }
0x85: {  	_ =	shalt  }
0x86: {  	_ =	shalt  }
0x87: {  	_ =	shalt  }
.Lfunc_end0:
.L_simem_size_0:
called_computation_lowered:
.L_overlay_start_0:
0x88: {  	s2 =	sld [smem:$0x3FD9]  }
0x89: {  	s3 =	sld [smem:$0x3FFE];
	_ =	sdelay $0x1  }
0x8a: {  	s1 =	srdreg.scid  }
0x8b: {  	s0 =	sand.u32 $0x1, s1  }
0x8c: {  	s16 =	sshll.u32 s0, $0xA;
	s2 =	sadd.s32 s3, s2  }
0x8d: {  	s2 =	sadd.s32 s2, s16  }
0x8e: {  	[smem:$0x3FC4] =	sst s2  }
0x8f: {  	_ = 	snop  }
0x90: {  	(tm) =	ssettm $0x1  }
0x91: {  	s17 =	sld [smem:$0x3FFB];
	_ =	sdelay $0x3  }
0x92: {  	_ =	strace s17  }
0x93: {  	s2 =	sld [smem:$0x3FFC];
	_ =	sdelay $0x3  }
0x94: {  	_ =	strace s2  }
0x95: {  	s2 =	sld [smem:$0x3FFD];
	_ =	sdelay $0x3  }
0x96: {  	_ =	strace s2  }
0x97: {  	_ =	strace $0x8FFFFFFF  }
0x98: {  	s18 =	sld [smem:$0x3FDB];
	_ =	sdelay $0x1  }
0x99: {  	s19 =	simm.s32 $_scs_section_size  }
0x9a: {  	s4 =	simm.s32 $_size__tile_overlayer_lowered;
	s5 =	simm.s32 $_tile_overlayer_lowered  }
0x9b: {  	s22 =	simm.s32 $0x1BFF;
	s21 =	sshll.u32 s5, $0x1;
	s2 =	sadd.s32 s19, s18  }
0x9c: {  	s6 =	simm.s32 $0x0;
	s20 =	sshll.u32 s4, $0x1;
	s4 =	sadd.s32 s21, s2  }
0x9d: {  	[timem:s6], [sflag:s22] =	dma.local [hbm:s4], s20  }
0x9e: {  	_ =	swait.ge [sflag:s22], s20  }
0x9f: {  	s3 =	ssub.s32 $0x0, s20;
	[sflag:s22] =	ssyncset.done $0x0  }
0xa0: {  	[sflag:s22] =	ssyncadd.s32 s3;
	_ =	sdelay $0x1  }
0xa1: {  	s23 =	simm.s32 $0x1B8B  }
0xa2: {  	_ =	swait.ge [sflag:s23], $0x1  }
0xa3: {  	[sflag:s23] =	ssyncset.done $0x0  }
0xa4: {  	s25 =	simm.s32 $0x1B8E;
	s24 =	sld [smem:$0x3FFE];
	[sflag:s23] =	ssyncadd.s32 $0xFFFFFFFF  }
0xa5: {  	s26 =	simm.s32 $execute0_lowered;
	[smem:$0x3FD2] =	sst s25  }
0xa6: {  	s4 =	sshll.u32 s26, $0x1;
	_ =	strace $0x80000046;
	[dreg:$0x1] =	wrdreg $0xFFFFFFFF  }
0xa7: {  	s28 =	simm.s32 $_size_execute0_lowered;
	s2 =	sadd.s32 s2, s4;
	[dreg:$0x0] =	wrdreg $0x0  }
0xa8: {  	s4 =	sshll.u32 s28, $0x1;
	[dreg:$0x2] =	wrdreg s2  }
0xa9: {  	[dreg:$0x3] =	wrdreg s4  }
0xaa: {  	[dreg:$0x4] =	wrdreg $0xC0  }
0xab: {  	_ =	task [dreg:s6], $0x5FFFF  }
0xac: {  	[dreg:$0x1] =	wrdreg $0xFFFFFFFF  }
0xad: {  	[dreg:$0x0] =	wrdreg $0x60  }
0xae: {  	[dreg:$0x2] =	wrdreg s24  }
0xaf: {  	[dreg:$0x3] =	wrdreg $0x9  }
0xb0: {  	_ =	task.clear_ibuf [dreg:s6], $0x4FFFF;
	_ =	strace $0x90000046  }
0xb1: {  	s29 =	simm.s32 $0x9;
	_ =	strace $0x80000048  }
0xb2: {  	_ =	swait.ge [sflag:s29], $0x1  }
0xb3: {  	[sflag:s29] =	ssyncadd.s32 $0xFFFFFFFF  }
0xb4: {  	_ =	strace $0x90000048  }
0xb5: {  	_ =	sfence  }
0xb6: {  	s30 =	sld [smem:$0x0];
	_ =	sdelay $0x2  }
0xb7: {  	s31 =	sshll.u32 s1, $0xD;
	s1 =	sshrl.u32 s1, $0x2  }
0xb8: {  	s3 =	sand.u32 $0x4000, s31;
	s1 =	sadd.s32 s1, s30  }
0xb9: {  	s0 =	sor.u32 s3, s0;
	s1 =	sshll.u32 s1, $0x11  }
0xba: {  	s0 =	sor.u32 s1, s0  }
0xbb: {  	s0 =	sadd.s32 $0x8F2B, s0  }
0xbc: {  	[sflag:s0] =	ssyncadd.remote.s32 $0x1  }
0xbd: {  	_ =	sfence.sel $0xFFFF  }
0xbe: {  	[dreg:$0x0] =	wrdreg $0xFFFFFFFF;
	(pc) =	sbr.abs _section_cstart, $3  }
0xbf: {  	[dreg:$0x1] =	wrdreg $0xFFFFFFFF  }
0xc0: {  	_ =	task.clear_ibuf [dreg:s6], $0x2FFFF;
	_ =	strace $0x9FFFFFFF  }
0xc1: {  	(tm) =	ssettm $0x7FFFFFFF  }
tec
execute0_lowered:
.L_overlay_start_1:
0x0: {  	(tag) =	ssettag $0x1  }
0x1: {  	s1 =	srdreg.scid;
	s0 =	stileid.u32  }
0x2: {  	s9 =	rddreg [dreg:$0x0];
	s2 =	simm.s32 $0x0;
	s7 =	simm.s32 $0x80  }
0x3: {  	s6 =	sand.u32 $0x1, s1;
	s3 =	sshll.u32 s0, $0x1;
	s1 =	rddreg [dreg:$0x1]  }
0x4: {  	s8 =	simm.s32 $0x1;
	[smem:$0x7FF] =	sst s2;
	s10 =	sor.u32 s6, s3  }
0x5: {  	s5 =	sadd.s32 $0x1600, s9;
	_ =	strace $0x80000047;
	s3 =	sadd.s32 s10, s9  }
0x6: {  	s11 =	ssub.s32 $0x2, s6;
	s4 =	sadd.s32 $0x1400, s3;
	s3 =	simm.s32 $0x2  }
0x7: {  	[tilespmem:s2], [sflag:$0x2] =	stream.linear.gather [hbm4b:s4+s2], $0x8, $0x38;
	[tilespmem:$0x480] =	vst v63  }
0x8: {  	s6 =	simm.s32 $0x8;
	s12 =	sshrl.u32 s11, $0x1;
	_ =	swait.ge [sflag:s3], $0x8  }
0x9: {  	s10 =	sshll.u32 s10, $0x7;
	s31 =	ssub.s32 s11, s12;
	[sflag:s3] =	ssyncset.done $0x0  }
0xa: {  	s9 =	sadd.s32 s10, s9;
	s10 =	smax.u32 s31, $0x1;
	[sflag:s3] =	ssyncadd.s32 $0xFFFFFFF8  }
0xb: {  	[tilespmem:s7], [sflag:$0x1] =	stream.indirect.gather [hbm4b:s5+s6], $0x80, s2, s6, $0xb8;
	[tilespmem:$0x480] =	vst v63  }
0xc: {  	p0 =	sne.s32 s10, $0x1;
	_ =	swait.ge [sflag:s8], $0x400  }
.Ltmp0:
0xd: {  	[sflag:s8] =	ssyncset.done $0x0;
	(pc) =	sbr.rel @!p0 .LBB2_2-.Ltmp0, $4  }
0xe: {  	s9 =	sadd.s32 $0x4F800, s9;
	[sflag:s8] =	ssyncadd.s32 $0xFFFFFC00  }
0xf: {  	[hbm4b:s9+s2] =	stream.linear.scatter [tilespmem:s7], [sflag:$0x2], $0x400, $0x38;
	[tilespmem:$0x480] =	vst v63  }
0x10: {  	_ =	swait.ge [sflag:s3], $0x400  }
0x11: {  	s10 =	sadd.s32 $0xFFFFFFFF, s10;
	[sflag:s3] =	ssyncset.done $0x0  }
.LBB2_1:
0x12: {  	p0 =	sne.s32 s10, $0x1;
	s10 =	sadd.s32 $0xFFFFFFFF, s10;
	[sflag:s3] =	ssyncadd.s32 $0xFFFFFC00  }
0x13: {  	[tilespmem:s2], [sflag:$0x2] =	stream.linear.gather [hbm4b:s4+s2], $0x8, $0x38;
	[tilespmem:$0x480] =	vst v63  }
0x14: {  	_ =	swait.ge [sflag:s3], $0x8  }
0x15: {  	[sflag:s3] =	ssyncset.done $0x0  }
0x16: {  	[sflag:s3] =	ssyncadd.s32 $0xFFFFFFF8  }
0x17: {  	[tilespmem:s7], [sflag:$0x1] =	stream.indirect.gather [hbm4b:s5+s6], $0x80, s2, s6, $0xb8;
	[tilespmem:$0x480] =	vst v63  }
0x18: {  	_ =	swait.ge [sflag:s8], $0x400  }
.Ltmp1:
0x19: {  	[sflag:s8] =	ssyncset.done $0x0;
	(pc) =	sbr.rel @p0 .LBB2_1-.Ltmp1, $4  }
0x1a: {  	[sflag:s8] =	ssyncadd.s32 $0xFFFFFC00  }
0x1b: {  	[hbm4b:s9+s2] =	stream.linear.scatter [tilespmem:s7], [sflag:$0x2], $0x400, $0x38;
	[tilespmem:$0x480] =	vst v63  }
0x1c: {  	_ =	swait.ge [sflag:s3], $0x400  }
0x1d: {  	[sflag:s3] =	ssyncset.done $0x0  }
.LBB2_2:
0x1e: {  	[sflag:s3] =	ssyncadd.s32 $0xFFFFFC00  }
0x1f: {  	_ =	sfence.sel $0x180000  }
0x20: {  	[bflag:$0x0] =	sbarrier.arrive $0xFFFF  }
0x21: {  	p0 =	sne.s32 s0, $0x0;
	_ =	strace $0x90000047  }
0x22: {  	s0 =	sadd.s32 @!p0 $0x100000, s1;
	[bflag:$0x2] =	sbarrier.arrive $0xFFFF  }
0x23: {  	[sflag:s0] =	ssyncadd.tile.s32 @!p0 $0x1;
	_ =	shalt  }
.Lfunc_end2:
_tile_overlayer_lowered:
.L_overlay_start_2:
0x24: {  	(tag) =	ssettag $0x2  }
0x25: {  	s0 =	rddreg [dreg:$0x0];
	s2 =	stileid.u32  }
0x26: {  	s1 =	rddreg [dreg:$0x1];
	p0 =	sne.s32 s2, $0x0  }
0x27: {  	s3 =	rddreg [dreg:$0x2];
	[bflag:$0x3] =	sbarrier.arrive $0xFFFF;
	s2 =	simm.s32 @!p0 $0x1C02  }
0x28: {  	[timem:s3], [sflag:s2] =	dma.local @!p0 [hbm:s0], s1  }
0x29: {  	s0 =	simm.s32 @!p0 $0x2  }
0x2a: {  	_ =	swait.ge @!p0 [sflag:s0], s1  }
0x2b: {  	s1 =	ssub.s32 @!p0 $0x0, s1;
	[sflag:s0] =	ssyncset.done @!p0 $0x0  }
0x2c: {  	[sflag:s0] =	ssyncadd.s32 @!p0 s1  }
0x2d: {  	[bflag:$0x3] =	sbarrier.arrive $0xFFFF  }
0x2e: {  	_ =	shalt  }

</sc_bundles>
